<compile_context>
chip_gen: v7x
topology: tpu7x:2x2x1
jax: 0.10.2.dev20260603
libtpu: 0.0.44.dev20260713+nightly
codegen_flags: <defaults>
</compile_context>

<pallas_src>
import functools

import jax
import jax.numpy as jnp
from jax import lax
from jax.experimental import pallas as pl
from jax.experimental.pallas import tpu as pltpu
from jax.experimental.pallas import tpu_sc as plsc

VOCAB_N = 1000000
D = 64
HID = 128
CLS = 2
B = 4096
HIST = 200

NC, NS = 2, 16
NW = NC * NS
ROWS = B // NW
C0 = 128
C1 = HIST - C0
C1P = 80
HALF = ROWS // 2
L = 16
INV = 1.0 / HIST


def _make_pool_kernel():
    mesh = plsc.VectorSubcoreMesh(core_axis_name="c", subcore_axis_name="s")

    @functools.partial(
        pl.kernel,
        mesh=mesh,
        out_type=jax.ShapeDtypeStruct((B, D), jnp.float32),
        scratch_types=[
            pltpu.VMEM((ROWS, HIST), jnp.int32),
            pltpu.VMEM((C0, D), jnp.float32),
            pltpu.VMEM((C1P, D), jnp.float32),
            pltpu.VMEM((C0, D), jnp.float32),
            pltpu.VMEM((C1P, D), jnp.float32),
            pltpu.VMEM((ROWS, D), jnp.float32),
            pltpu.SemaphoreType.DMA,
            pltpu.SemaphoreType.DMA,
            pltpu.SemaphoreType.DMA,
            pltpu.SemaphoreType.DMA,
        ],
        compiler_params=pltpu.CompilerParams(use_tc_tiling_on_sc=False),
    )
    def pool(x_hbm, emb_hbm, out_hbm, idx_v, b0, b1, b2, b3, acc_v,
             s0, s1, s2, s3):
        wid = lax.axis_index("s") * NC + lax.axis_index("c")
        base = wid * ROWS
        pltpu.sync_copy(x_hbm.at[pl.ds(base, ROWS)], idx_v)

        zrow = jnp.zeros((L,), jnp.float32)
        for buf in (b1, b3):
            def zero_row(r, _, buf=buf):
                for k in range(D // L):
                    buf[r, pl.ds(k * L, L)] = zrow
                return 0
            lax.fori_loop(C1, C1P, zero_row, 0)

        def fire0(r, buf, sem):
            pltpu.make_async_copy(
                emb_hbm.at[idx_v.at[r, pl.ds(0, C0)]], buf, sem).start()

        def fire1(r, buf, sem):
            pltpu.make_async_copy(
                emb_hbm.at[idx_v.at[r, pl.ds(C0, C1)]],
                buf.at[pl.ds(0, C1)], sem).start()

        def wait0(buf, sem):
            pltpu.make_async_copy(
                emb_hbm.at[idx_v.at[0, pl.ds(0, C0)]], buf, sem).wait()

        def wait1(buf, sem):
            pltpu.make_async_copy(
                emb_hbm.at[idx_v.at[0, pl.ds(C0, C1)]],
                buf.at[pl.ds(0, C1)], sem).wait()

        def accum(buf, nrows, acc):
            def body(g, a):
                for k in range(8):
                    j = g * 8 + k
                    a = (a[0] + buf[j, pl.ds(0, L)],
                         a[1] + buf[j, pl.ds(L, L)],
                         a[2] + buf[j, pl.ds(2 * L, L)],
                         a[3] + buf[j, pl.ds(3 * L, L)])
                return a
            return lax.fori_loop(0, nrows // 8, body, acc)

        def store_row(r, a):
            acc_v[r, pl.ds(0, L)] = a[0] * INV
            acc_v[r, pl.ds(L, L)] = a[1] * INV
            acc_v[r, pl.ds(2 * L, L)] = a[2] * INV
            acc_v[r, pl.ds(3 * L, L)] = a[3] * INV

        zeros = (jnp.zeros((L,), jnp.float32),) * 4

        fire0(0, b0, s0)
        fire1(0, b1, s1)
        fire0(1, b2, s2)
        fire1(1, b3, s3)

        def pair_body(bb, carry):
            r = 2 * bb
            not_last = bb < HALF - 1

            wait0(b0, s0)
            acc = accum(b0, C0, zeros)

            @pl.when(not_last)
            def _():
                fire0(r + 2, b0, s0)

            wait1(b1, s1)
            acc = accum(b1, C1P, acc)

            @pl.when(not_last)
            def _():
                fire1(r + 2, b1, s1)

            store_row(r, acc)

            wait0(b2, s2)
            acc2 = accum(b2, C0, zeros)

            @pl.when(not_last)
            def _():
                fire0(r + 3, b2, s2)

            wait1(b3, s3)
            acc2 = accum(b3, C1P, acc2)

            @pl.when(not_last)
            def _():
                fire1(r + 3, b3, s3)

            store_row(r + 1, acc2)
            return carry

        lax.fori_loop(0, HALF, pair_body, 0)
        pltpu.sync_copy(acc_v, out_hbm.at[pl.ds(base, ROWS)])

    return pool


_pool = _make_pool_kernel()


def _mlp_body(x_ref, w1t_ref, b1_ref, w2t_ref, b2_ref, o_ref):
    h = jnp.dot(x_ref[...], w1t_ref[...], preferred_element_type=jnp.float32)
    h = jnp.maximum(h + b1_ref[...], 0.0)
    o_ref[...] = (jnp.dot(h, w2t_ref[...], preferred_element_type=jnp.float32)
                  + b2_ref[...])


def kernel(x_in, emb, W1, b1, W2, b2):
    pooled = _pool(x_in, emb)
    logits = pl.pallas_call(
        _mlp_body,
        out_shape=jax.ShapeDtypeStruct((B, CLS), jnp.float32),
    )(pooled, W1.T, b1.reshape(1, HID), W2.T, b2.reshape(1, CLS))
    return logits

# --- scband reference (transcript-rebuilt; emitter-appended) ---
"""Pipeline reference for scband-review-mlp-embed-classifier-1477468749869 (READ-ONLY COPY).

The authoritative reference and input builder live on the scoring server;
editing this copy changes nothing except your own understanding.
"""

import jax, jax.numpy as jnp
import numpy as np

VOCAB = 1000000
EMBED_DIM = 64
HIDDEN = 128
NUM_CLASSES = 2
BATCH = 4096
HIST = 200


def setup_inputs(seed: int = 0) -> dict:
    key = jax.random.key(seed)
    k1, k2, k3, k4, k5, k6 = jax.random.split(key, 6)
    x_in = jax.random.randint(k1, (BATCH, HIST), 0, VOCAB, dtype=jnp.int64 if jax.config.jax_enable_x64 else jnp.int32).astype(jnp.int32)
    emb = jax.random.normal(k2, (VOCAB, EMBED_DIM), dtype=jnp.float32) * 0.02
    W1 = jax.random.normal(k3, (HIDDEN, EMBED_DIM), dtype=jnp.float32) * (1.0 / np.sqrt(EMBED_DIM))
    b1 = jax.random.normal(k4, (HIDDEN,), dtype=jnp.float32) * 0.01
    W2 = jax.random.normal(k5, (NUM_CLASSES, HIDDEN), dtype=jnp.float32) * (1.0 / np.sqrt(HIDDEN))
    b2 = jax.random.normal(k6, (NUM_CLASSES,), dtype=jnp.float32) * 0.01
    return {"x_in": x_in, "emb": emb, "W1": W1, "b1": b1, "W2": W2, "b2": b2}


def reference(x_in, emb, W1, b1, W2, b2):
    # embedding lookup: [B, L] -> [B, L, D]
    embed_out = jnp.take(emb, x_in, axis=0)
    # permute(0, 2, 1): [B, D, L]
    embed_out = jnp.transpose(embed_out, (0, 2, 1))
    # mean over dim 2 (sequence): [B, D]
    embed_out = jnp.mean(embed_out, axis=2)
    # Linear(D -> HIDDEN) + ReLU
    h = jnp.maximum(embed_out @ W1.T + b1, 0.0)
    # Linear(HIDDEN -> NUM_CLASSES)
    logits = h @ W2.T + b2
    # squeeze (no-op for [4096, 2])
    return jnp.squeeze(logits)

if __name__ == "__main__":
    import jax
    _d = setup_inputs()
    print(jax.jit(kernel)(*tuple(_d.values())))

</pallas_src>

<mosaic_0001>
#map = affine_map<(d0, d1) -> (0, 0)>
module attributes {stable_mosaic.version = 14 : i64} {
  func.func @pool(%arg0: i32, %arg1: i32, %arg2: memref<4096x200xi32, #tpu.memory_space<hbm>>, %arg3: memref<1000000x64xf32, #tpu.memory_space<hbm>>, %arg4: memref<4096x64xf32, #tpu.memory_space<hbm>>, %arg5: memref<128x200xi32, #tpu.memory_space<vmem>>, %arg6: memref<128x64xf32, #tpu.memory_space<vmem>>, %arg7: memref<80x64xf32, #tpu.memory_space<vmem>>, %arg8: memref<128x64xf32, #tpu.memory_space<vmem>>, %arg9: memref<80x64xf32, #tpu.memory_space<vmem>>, %arg10: memref<128x64xf32, #tpu.memory_space<vmem>>, %arg11: memref<!tpu.dma_semaphore, #tpu.memory_space<semaphore_mem>>, %arg12: memref<!tpu.dma_semaphore, #tpu.memory_space<semaphore_mem>>, %arg13: memref<!tpu.dma_semaphore, #tpu.memory_space<semaphore_mem>>, %arg14: memref<!tpu.dma_semaphore, #tpu.memory_space<semaphore_mem>>) attributes {dimension_semantics = [#tpu.dimension_semantics<core_parallel>, #tpu.dimension_semantics<subcore_parallel>], iteration_bounds = array<i64: 2, 16>, scalar_prefetch = 0 : i64, scratch_operands = 10 : i64, tpu.core_type = #tpu.core_type<sc_vector_subcore>, window_params = [{transform_indices = #map}, {transform_indices = #map}, {transform_indices = #map}]} {
    %mul3A = arith.constant 2 : i32
    %mul3A_0 = arith.muli %arg1, %mul3A : i32
    %add3A = arith.addi %mul3A_0, %arg0 : i32
    %mul3A_1 = arith.constant 128 : i32
    %mul3A_2 = arith.muli %add3A, %mul3A_1 : i32
    "tpu.region"() ({
      %run_scoped3A = tpu.sem_alloc : memref<!tpu.dma_semaphore, #tpu.memory_space<semaphore_mem>>
      %dma_start3A_58 = arith.constant 0 : i32
      %dma_start3A_59 = tpu.memref_slice %arg2[%mul3A_2, %dma_start3A_58] : memref<4096x200xi32, #tpu.memory_space<hbm>> -> memref<128x200xi32, #tpu.memory_space<hbm>>
      %dma_start3A_60 = arith.constant 0 : i32
      %dma_start3A_61 = tpu.memref_slice %arg2[%mul3A_2, %dma_start3A_60] : memref<4096x200xi32, #tpu.memory_space<hbm>> -> memref<128x200xi32, #tpu.memory_space<hbm>>
      tpu.enqueue_dma source(%dma_start3A_61 : memref<128x200xi32, #tpu.memory_space<hbm>>) target(%arg5 : memref<128x200xi32, #tpu.memory_space<vmem>>) target_semaphore(%run_scoped3A : memref<!tpu.dma_semaphore, #tpu.memory_space<semaphore_mem>>)
      %dma_wait3A = arith.constant 0 : i32
      %dma_wait3A_62 = tpu.memref_slice %arg2[%mul3A_2, %dma_wait3A] : memref<4096x200xi32, #tpu.memory_space<hbm>> -> memref<128x200xi32, #tpu.memory_space<hbm>>
      %dma_wait3A_63 = arith.constant 0 : i32
      %dma_wait3A_64 = tpu.memref_slice %arg2[%mul3A_2, %dma_wait3A_63] : memref<4096x200xi32, #tpu.memory_space<hbm>> -> memref<128x200xi32, #tpu.memory_space<hbm>>
      tpu.wait_dma2 semaphore(%run_scoped3A : memref<!tpu.dma_semaphore, #tpu.memory_space<semaphore_mem>>) src(%dma_wait3A_64 : memref<128x200xi32, #tpu.memory_space<hbm>>) dst(%arg5 : memref<128x200xi32, #tpu.memory_space<vmem>>)
      tpu.yield
    }) : () -> ()
    %broadcast_in_dim3A = arith.constant 0.000000e+00 : f32
    %broadcast_in_dim3A_3 = vector.broadcast %broadcast_in_dim3A : f32 to vector<16xf32>
    %scan3A = arith.constant 0 : i32
    %scan3A_4 = arith.constant 72 : i32
    %scan3A_5 = arith.constant 8 : i32
    %scan3A_6 = arith.addi %scan3A_4, %scan3A_5 : i32
    %scan3A_7 = arith.constant 1 : i32
    %scan3A_8 = scf.for %scan3A_58 = %scan3A_4 to %scan3A_6 step %scan3A_7 iter_args(%scan3A_59 = %scan3A) -> (i32)  : i32 {
      %swap3A = arith.index_cast %scan3A_58 : i32 to index
      %swap3A_60 = arith.constant 0 : index
      %swap3A_61 = tpu.vector_load %arg7[%swap3A, %swap3A_60] {strides = array<i32>} : memref<80x64xf32, #tpu.memory_space<vmem>>, vector<1x16xf32>,
      %swap3A_62 = vector.shape_cast %swap3A_61 : vector<1x16xf32> to vector<16xf32>
      %swap3A_63 = vector.shape_cast %broadcast_in_dim3A_3 : vector<16xf32> to vector<1x16xf32>
      tpu.vector_store %arg7[%swap3A, %swap3A_60], %swap3A_63 {strides = array<i32>} : memref<80x64xf32, #tpu.memory_space<vmem>>, vector<1x16xf32>,
      %swap3A_64 = arith.index_cast %scan3A_58 : i32 to index
      %swap3A_65 = arith.constant 16 : index
      %swap3A_66 = tpu.vector_load %arg7[%swap3A_64, %swap3A_65] {strides = array<i32>} : memref<80x64xf32, #tpu.memory_space<vmem>>, vector<1x16xf32>,
      %swap3A_67 = vector.shape_cast %swap3A_66 : vector<1x16xf32> to vector<16xf32>
      %swap3A_68 = vector.shape_cast %broadcast_in_dim3A_3 : vector<16xf32> to vector<1x16xf32>
      tpu.vector_store %arg7[%swap3A_64, %swap3A_65], %swap3A_68 {strides = array<i32>} : memref<80x64xf32, #tpu.memory_space<vmem>>, vector<1x16xf32>,
      %swap3A_69 = arith.index_cast %scan3A_58 : i32 to index
      %swap3A_70 = arith.constant 32 : index
      %swap3A_71 = tpu.vector_load %arg7[%swap3A_69, %swap3A_70] {strides = array<i32>} : memref<80x64xf32, #tpu.memory_space<vmem>>, vector<1x16xf32>,
      %swap3A_72 = vector.shape_cast %swap3A_71 : vector<1x16xf32> to vector<16xf32>
      %swap3A_73 = vector.shape_cast %broadcast_in_dim3A_3 : vector<16xf32> to vector<1x16xf32>
      tpu.vector_store %arg7[%swap3A_69, %swap3A_70], %swap3A_73 {strides = array<i32>} : memref<80x64xf32, #tpu.memory_space<vmem>>, vector<1x16xf32>,
      %swap3A_74 = arith.index_cast %scan3A_58 : i32 to index
      %swap3A_75 = arith.constant 48 : index
      %swap3A_76 = tpu.vector_load %arg7[%swap3A_74, %swap3A_75] {strides = array<i32>} : memref<80x64xf32, #tpu.memory_space<vmem>>, vector<1x16xf32>,
      %swap3A_77 = vector.shape_cast %swap3A_76 : vector<1x16xf32> to vector<16xf32>
      %swap3A_78 = vector.shape_cast %broadcast_in_dim3A_3 : vector<16xf32> to vector<1x16xf32>
      tpu.vector_store %arg7[%swap3A_74, %swap3A_75], %swap3A_78 {strides = array<i32>} : memref<80x64xf32, #tpu.memory_space<vmem>>, vector<1x16xf32>,
      %scan3A_79 = arith.constant 0 : i32
      scf.yield %scan3A_79 : i32
    }
    %scan3A_9 = arith.constant 8 : i32
    %scan3A_10 = arith.constant 0 : i32
    %scan3A_11 = arith.constant 72 : i32
    %scan3A_12 = arith.constant 8 : i32
    %scan3A_13 = arith.addi %scan3A_11, %scan3A_12 : i32
    %scan3A_14 = arith.constant 1 : i32
    %scan3A_15 = scf.for %scan3A_58 = %scan3A_11 to %scan3A_13 step %scan3A_14 iter_args(%scan3A_59 = %scan3A_10) -> (i32)  : i32 {
      %swap3A = arith.index_cast %scan3A_58 : i32 to index
      %swap3A_60 = arith.constant 0 : index
      %swap3A_61 = tpu.vector_load %arg9[%swap3A, %swap3A_60] {strides = array<i32>} : memref<80x64xf32, #tpu.memory_space<vmem>>, vector<1x16xf32>,
      %swap3A_62 = vector.shape_cast %swap3A_61 : vector<1x16xf32> to vector<16xf32>
      %swap3A_63 = vector.shape_cast %broadcast_in_dim3A_3 : vector<16xf32> to vector<1x16xf32>
      tpu.vector_store %arg9[%swap3A, %swap3A_60], %swap3A_63 {strides = array<i32>} : memref<80x64xf32, #tpu.memory_space<vmem>>, vector<1x16xf32>,
      %swap3A_64 = arith.index_cast %scan3A_58 : i32 to index
      %swap3A_65 = arith.constant 16 : index
      %swap3A_66 = tpu.vector_load %arg9[%swap3A_64, %swap3A_65] {strides = array<i32>} : memref<80x64xf32, #tpu.memory_space<vmem>>, vector<1x16xf32>,
      %swap3A_67 = vector.shape_cast %swap3A_66 : vector<1x16xf32> to vector<16xf32>
      %swap3A_68 = vector.shape_cast %broadcast_in_dim3A_3 : vector<16xf32> to vector<1x16xf32>
      tpu.vector_store %arg9[%swap3A_64, %swap3A_65], %swap3A_68 {strides = array<i32>} : memref<80x64xf32, #tpu.memory_space<vmem>>, vector<1x16xf32>,
      %swap3A_69 = arith.index_cast %scan3A_58 : i32 to index
      %swap3A_70 = arith.constant 32 : index
      %swap3A_71 = tpu.vector_load %arg9[%swap3A_69, %swap3A_70] {strides = array<i32>} : memref<80x64xf32, #tpu.memory_space<vmem>>, vector<1x16xf32>,
      %swap3A_72 = vector.shape_cast %swap3A_71 : vector<1x16xf32> to vector<16xf32>
      %swap3A_73 = vector.shape_cast %broadcast_in_dim3A_3 : vector<16xf32> to vector<1x16xf32>
      tpu.vector_store %arg9[%swap3A_69, %swap3A_70], %swap3A_73 {strides = array<i32>} : memref<80x64xf32, #tpu.memory_space<vmem>>, vector<1x16xf32>,
      %swap3A_74 = arith.index_cast %scan3A_58 : i32 to index
      %swap3A_75 = arith.constant 48 : index
      %swap3A_76 = tpu.vector_load %arg9[%swap3A_74, %swap3A_75] {strides = array<i32>} : memref<80x64xf32, #tpu.memory_space<vmem>>, vector<1x16xf32>,
      %swap3A_77 = vector.shape_cast %swap3A_76 : vector<1x16xf32> to vector<16xf32>
      %swap3A_78 = vector.shape_cast %broadcast_in_dim3A_3 : vector<16xf32> to vector<1x16xf32>
      tpu.vector_store %arg9[%swap3A_74, %swap3A_75], %swap3A_78 {strides = array<i32>} : memref<80x64xf32, #tpu.memory_space<vmem>>, vector<1x16xf32>,
      %scan3A_79 = arith.constant 0 : i32
      scf.yield %scan3A_79 : i32
    }
    %scan3A_16 = arith.constant 8 : i32
    %broadcast_in_dim3A_17 = arith.constant 0.000000e+00 : f32
    %broadcast_in_dim3A_18 = vector.broadcast %broadcast_in_dim3A_17 : f32 to vector<16xf32>
    %dma_start3A = arith.constant 0 : i32
    %dma_start3A_19 = arith.constant 0 : i32
    %dma_start3A_20 = tpu.memref_slice %arg5[%dma_start3A, %dma_start3A_19] : memref<128x200xi32, #tpu.memory_space<vmem>> -> memref<1x128xi32, #tpu.memory_space<vmem>>
    %dma_start3A_21 = tpu.memref_squeeze %dma_start3A_20 : memref<1x128xi32, #tpu.memory_space<vmem>> -> memref<128xi32, #tpu.memory_space<vmem>>
    %dma_start3A_22 = arith.constant 0 : i32
    %dma_start3A_23 = arith.constant 0 : i32
    %dma_start3A_24 = tpu.memref_slice %arg3[%dma_start3A_22, %dma_start3A_23] : memref<1000000x64xf32, #tpu.memory_space<hbm>> -> memref<1000000x64xf32, #tpu.memory_space<hbm>>
    tpu.enqueue_indirect_dma source(%dma_start3A_24 : memref<1000000x64xf32, #tpu.memory_space<hbm>>) target(%arg6 : memref<128x64xf32, #tpu.memory_space<vmem>>) offsets(%dma_start3A_21 : memref<128xi32, #tpu.memory_space<vmem>>) semaphore(%arg11 : memref<!tpu.dma_semaphore, #tpu.memory_space<semaphore_mem>>)
    %dma_start3A_25 = arith.constant 0 : i32
    %dma_start3A_26 = arith.constant 0 : i32
    %dma_start3A_27 = arith.constant 0 : i32
    %dma_start3A_28 = tpu.memref_slice %arg7[%dma_start3A_26, %dma_start3A_27] : memref<80x64xf32, #tpu.memory_space<vmem>> -> memref<72x64xf32, #tpu.memory_space<vmem>>
    %dma_start3A_29 = arith.constant 128 : i32
    %dma_start3A_30 = tpu.memref_slice %arg5[%dma_start3A_25, %dma_start3A_29] : memref<128x200xi32, #tpu.memory_space<vmem>> -> memref<1x72xi32, #tpu.memory_space<vmem>>
    %dma_start3A_31 = tpu.memref_squeeze %dma_start3A_30 : memref<1x72xi32, #tpu.memory_space<vmem>> -> memref<72xi32, #tpu.memory_space<vmem>>
    %dma_start3A_32 = arith.constant 0 : i32
    %dma_start3A_33 = arith.constant 0 : i32
    %dma_start3A_34 = tpu.memref_slice %arg3[%dma_start3A_32, %dma_start3A_33] : memref<1000000x64xf32, #tpu.memory_space<hbm>> -> memref<1000000x64xf32, #tpu.memory_space<hbm>>
    tpu.enqueue_indirect_dma source(%dma_start3A_34 : memref<1000000x64xf32, #tpu.memory_space<hbm>>) target(%dma_start3A_28 : memref<72x64xf32, #tpu.memory_space<vmem>>) offsets(%dma_start3A_31 : memref<72xi32, #tpu.memory_space<vmem>>) semaphore(%arg12 : memref<!tpu.dma_semaphore, #tpu.memory_space<semaphore_mem>>)
    %dma_start3A_35 = arith.constant 1 : i32
    %dma_start3A_36 = arith.constant 0 : i32
    %dma_start3A_37 = tpu.memref_slice %arg5[%dma_start3A_35, %dma_start3A_36] : memref<128x200xi32, #tpu.memory_space<vmem>> -> memref<1x128xi32, #tpu.memory_space<vmem>>
    %dma_start3A_38 = tpu.memref_squeeze %dma_start3A_37 : memref<1x128xi32, #tpu.memory_space<vmem>> -> memref<128xi32, #tpu.memory_space<vmem>>
    %dma_start3A_39 = arith.constant 0 : i32
    %dma_start3A_40 = arith.constant 0 : i32
    %dma_start3A_41 = tpu.memref_slice %arg3[%dma_start3A_39, %dma_start3A_40] : memref<1000000x64xf32, #tpu.memory_space<hbm>> -> memref<1000000x64xf32, #tpu.memory_space<hbm>>
    tpu.enqueue_indirect_dma source(%dma_start3A_41 : memref<1000000x64xf32, #tpu.memory_space<hbm>>) target(%arg8 : memref<128x64xf32, #tpu.memory_space<vmem>>) offsets(%dma_start3A_38 : memref<128xi32, #tpu.memory_space<vmem>>) semaphore(%arg13 : memref<!tpu.dma_semaphore, #tpu.memory_space<semaphore_mem>>)
    %dma_start3A_42 = arith.constant 1 : i32
    %dma_start3A_43 = arith.constant 0 : i32
    %dma_start3A_44 = arith.constant 0 : i32
    %dma_start3A_45 = tpu.memref_slice %arg9[%dma_start3A_43, %dma_start3A_44] : memref<80x64xf32, #tpu.memory_space<vmem>> -> memref<72x64xf32, #tpu.memory_space<vmem>>
    %dma_start3A_46 = arith.constant 128 : i32
    %dma_start3A_47 = tpu.memref_slice %arg5[%dma_start3A_42, %dma_start3A_46] : memref<128x200xi32, #tpu.memory_space<vmem>> -> memref<1x72xi32, #tpu.memory_space<vmem>>
    %dma_start3A_48 = tpu.memref_squeeze %dma_start3A_47 : memref<1x72xi32, #tpu.memory_space<vmem>> -> memref<72xi32, #tpu.memory_space<vmem>>
    %dma_start3A_49 = arith.constant 0 : i32
    %dma_start3A_50 = arith.constant 0 : i32
    %dma_start3A_51 = tpu.memref_slice %arg3[%dma_start3A_49, %dma_start3A_50] : memref<1000000x64xf32, #tpu.memory_space<hbm>> -> memref<1000000x64xf32, #tpu.memory_space<hbm>>
    tpu.enqueue_indirect_dma source(%dma_start3A_51 : memref<1000000x64xf32, #tpu.memory_space<hbm>>) target(%dma_start3A_45 : memref<72x64xf32, #tpu.memory_space<vmem>>) offsets(%dma_start3A_48 : memref<72xi32, #tpu.memory_space<vmem>>) semaphore(%arg14 : memref<!tpu.dma_semaphore, #tpu.memory_space<semaphore_mem>>)
    %scan3A_52 = arith.constant 0 : i32
    %scan3A_53 = arith.constant 0 : i32
    %scan3A_54 = arith.constant 64 : i32
    %scan3A_55 = arith.addi %scan3A_53, %scan3A_54 : i32
    %scan3A_56 = arith.constant 1 : i32
    scf.for %scan3A_58 = %scan3A_53 to %scan3A_55 step %scan3A_56  : i32 {
      %mul3A_59 = arith.constant 2 : i32
      %mul3A_60 = arith.muli %mul3A_59, %scan3A_58 : i32
      %lt3A = arith.constant 63 : i32
      %lt3A_61 = arith.cmpi slt, %scan3A_58, %lt3A : i32
      %dma_wait3A = arith.constant 0 : i32
      %dma_wait3A_62 = arith.constant 0 : i32
      %dma_wait3A_63 = tpu.memref_slice %arg5[%dma_wait3A, %dma_wait3A_62] : memref<128x200xi32, #tpu.memory_space<vmem>> -> memref<1x128xi32, #tpu.memory_space<vmem>>
      %dma_wait3A_64 = tpu.memref_squeeze %dma_wait3A_63 : memref<1x128xi32, #tpu.memory_space<vmem>> -> memref<128xi32, #tpu.memory_space<vmem>>
      %dma_wait3A_65 = arith.constant 0 : i32
      %dma_wait3A_66 = arith.constant 0 : i32
      %dma_wait3A_67 = tpu.memref_slice %arg3[%dma_wait3A_65, %dma_wait3A_66] : memref<1000000x64xf32, #tpu.memory_space<hbm>> -> memref<1000000x64xf32, #tpu.memory_space<hbm>>
      tpu.wait_indirect_dma semaphore(%arg11 : memref<!tpu.dma_semaphore, #tpu.memory_space<semaphore_mem>>) src(%dma_wait3A_67 : memref<1000000x64xf32, #tpu.memory_space<hbm>>) dst(%arg6 : memref<128x64xf32, #tpu.memory_space<vmem>>)
      %scan3A_68 = arith.constant 0 : i32
      %scan3A_69 = arith.constant 16 : i32
      %scan3A_70 = arith.addi %scan3A_68, %scan3A_69 : i32
      %scan3A_71 = arith.constant 1 : i32
      %scan3A_72:4 = scf.for %scan3A_194 = %scan3A_68 to %scan3A_70 step %scan3A_71 iter_args(%scan3A_195 = %broadcast_in_dim3A_18, %scan3A_196 = %broadcast_in_dim3A_18, %scan3A_197 = %broadcast_in_dim3A_18, %scan3A_198 = %broadcast_in_dim3A_18) -> (vector<16xf32>, vector<16xf32>, vector<16xf32>, vector<16xf32>)  : i32 {
        %mul3A_199 = arith.constant 8 : i32
        %mul3A_200 = arith.muli %scan3A_194, %mul3A_199 : i32
        %add3A_201 = arith.constant 0 : i32
        %add3A_202 = arith.addi %mul3A_200, %add3A_201 : i32
        %get3A = arith.index_cast %add3A_202 : i32 to index
        %get3A_203 = arith.constant 0 : index
        %get3A_204 = tpu.vector_load %arg6[%get3A, %get3A_203] {strides = array<i32>} : memref<128x64xf32, #tpu.memory_space<vmem>>, vector<1x16xf32>,
        %get3A_205 = vector.shape_cast %get3A_204 : vector<1x16xf32> to vector<16xf32>
        %add3A_206 = arith.addf %scan3A_195, %get3A_205 : vector<16xf32>
        %get3A_207 = arith.index_cast %add3A_202 : i32 to index
        %get3A_208 = arith.constant 16 : index
        %get3A_209 = tpu.vector_load %arg6[%get3A_207, %get3A_208] {strides = array<i32>} : memref<128x64xf32, #tpu.memory_space<vmem>>, vector<1x16xf32>,
        %get3A_210 = vector.shape_cast %get3A_209 : vector<1x16xf32> to vector<16xf32>
        %add3A_211 = arith.addf %scan3A_196, %get3A_210 : vector<16xf32>
        %get3A_212 = arith.index_cast %add3A_202 : i32 to index
        %get3A_213 = arith.constant 32 : index
        %get3A_214 = tpu.vector_load %arg6[%get3A_212, %get3A_213] {strides = array<i32>} : memref<128x64xf32, #tpu.memory_space<vmem>>, vector<1x16xf32>,
        %get3A_215 = vector.shape_cast %get3A_214 : vector<1x16xf32> to vector<16xf32>
        %add3A_216 = arith.addf %scan3A_197, %get3A_215 : vector<16xf32>
        %get3A_217 = arith.index_cast %add3A_202 : i32 to index
        %get3A_218 = arith.constant 48 : index
        %get3A_219 = tpu.vector_load %arg6[%get3A_217, %get3A_218] {strides = array<i32>} : memref<128x64xf32, #tpu.memory_space<vmem>>, vector<1x16xf32>,
        %get3A_220 = vector.shape_cast %get3A_219 : vector<1x16xf32> to vector<16xf32>
        %add3A_221 = arith.addf %scan3A_198, %get3A_220 : vector<16xf32>
        %mul3A_222 = arith.constant 8 : i32
        %mul3A_223 = arith.muli %scan3A_194, %mul3A_222 : i32
        %add3A_224 = arith.constant 1 : i32
        %add3A_225 = arith.addi %mul3A_223, %add3A_224 : i32
        %get3A_226 = arith.index_cast %add3A_225 : i32 to index
        %get3A_227 = arith.constant 0 : index
        %get3A_228 = tpu.vector_load %arg6[%get3A_226, %get3A_227] {strides = array<i32>} : memref<128x64xf32, #tpu.memory_space<vmem>>, vector<1x16xf32>,
        %get3A_229 = vector.shape_cast %get3A_228 : vector<1x16xf32> to vector<16xf32>
        %add3A_230 = arith.addf %add3A_206, %get3A_229 : vector<16xf32>
        %get3A_231 = arith.index_cast %add3A_225 : i32 to index
        %get3A_232 = arith.constant 16 : index
        %get3A_233 = tpu.vector_load %arg6[%get3A_231, %get3A_232] {strides = array<i32>} : memref<128x64xf32, #tpu.memory_space<vmem>>, vector<1x16xf32>,
        %get3A_234 = vector.shape_cast %get3A_233 : vector<1x16xf32> to vector<16xf32>
        %add3A_235 = arith.addf %add3A_211, %get3A_234 : vector<16xf32>
        %get3A_236 = arith.index_cast %add3A_225 : i32 to index
        %get3A_237 = arith.constant 32 : index
        %get3A_238 = tpu.vector_load %arg6[%get3A_236, %get3A_237] {strides = array<i32>} : memref<128x64xf32, #tpu.memory_space<vmem>>, vector<1x16xf32>,
        %get3A_239 = vector.shape_cast %get3A_238 : vector<1x16xf32> to vector<16xf32>
        %add3A_240 = arith.addf %add3A_216, %get3A_239 : vector<16xf32>
        %get3A_241 = arith.index_cast %add3A_225 : i32 to index
        %get3A_242 = arith.constant 48 : index
        %get3A_243 = tpu.vector_load %arg6[%get3A_241, %get3A_242] {strides = array<i32>} : memref<128x64xf32, #tpu.memory_space<vmem>>, vector<1x16xf32>,
        %get3A_244 = vector.shape_cast %get3A_243 : vector<1x16xf32> to vector<16xf32>
        %add3A_245 = arith.addf %add3A_221, %get3A_244 : vector<16xf32>
        %mul3A_246 = arith.constant 8 : i32
        %mul3A_247 = arith.muli %scan3A_194, %mul3A_246 : i32
        %add3A_248 = arith.constant 2 : i32
        %add3A_249 = arith.addi %mul3A_247, %add3A_248 : i32
        %get3A_250 = arith.index_cast %add3A_249 : i32 to index
        %get3A_251 = arith.constant 0 : index
        %get3A_252 = tpu.vector_load %arg6[%get3A_250, %get3A_251] {strides = array<i32>} : memref<128x64xf32, #tpu.memory_space<vmem>>, vector<1x16xf32>,
        %get3A_253 = vector.shape_cast %get3A_252 : vector<1x16xf32> to vector<16xf32>
        %add3A_254 = arith.addf %add3A_230, %get3A_253 : vector<16xf32>
        %get3A_255 = arith.index_cast %add3A_249 : i32 to index
        %get3A_256 = arith.constant 16 : index
        %get3A_257 = tpu.vector_load %arg6[%get3A_255, %get3A_256] {strides = array<i32>} : memref<128x64xf32, #tpu.memory_space<vmem>>, vector<1x16xf32>,
        %get3A_258 = vector.shape_cast %get3A_257 : vector<1x16xf32> to vector<16xf32>
        %add3A_259 = arith.addf %add3A_235, %get3A_258 : vector<16xf32>
        %get3A_260 = arith.index_cast %add3A_249 : i32 to index
        %get3A_261 = arith.constant 32 : index
        %get3A_262 = tpu.vector_load %arg6[%get3A_260, %get3A_261] {strides = array<i32>} : memref<128x64xf32, #tpu.memory_space<vmem>>, vector<1x16xf32>,
        %get3A_263 = vector.shape_cast %get3A_262 : vector<1x16xf32> to vector<16xf32>
        %add3A_264 = arith.addf %add3A_240, %get3A_263 : vector<16xf32>
        %get3A_265 = arith.index_cast %add3A_249 : i32 to index
        %get3A_266 = arith.constant 48 : index
        %get3A_267 = tpu.vector_load %arg6[%get3A_265, %get3A_266] {strides = array<i32>} : memref<128x64xf32, #tpu.memory_space<vmem>>, vector<1x16xf32>,
        %get3A_268 = vector.shape_cast %get3A_267 : vector<1x16xf32> to vector<16xf32>
        %add3A_269 = arith.addf %add3A_245, %get3A_268 : vector<16xf32>
        %mul3A_270 = arith.constant 8 : i32
        %mul3A_271 = arith.muli %scan3A_194, %mul3A_270 : i32
        %add3A_272 = arith.constant 3 : i32
        %add3A_273 = arith.addi %mul3A_271, %add3A_272 : i32
        %get3A_274 = arith.index_cast %add3A_273 : i32 to index
        %get3A_275 = arith.constant 0 : index
        %get3A_276 = tpu.vector_load %arg6[%get3A_274, %get3A_275] {strides = array<i32>} : memref<128x64xf32, #tpu.memory_space<vmem>>, vector<1x16xf32>,
        %get3A_277 = vector.shape_cast %get3A_276 : vector<1x16xf32> to vector<16xf32>
        %add3A_278 = arith.addf %add3A_254, %get3A_277 : vector<16xf32>
        %get3A_279 = arith.index_cast %add3A_273 : i32 to index
        %get3A_280 = arith.constant 16 : index
        %get3A_281 = tpu.vector_load %arg6[%get3A_279, %get3A_280] {strides = array<i32>} : memref<128x64xf32, #tpu.memory_space<vmem>>, vector<1x16xf32>,
        %get3A_282 = vector.shape_cast %get3A_281 : vector<1x16xf32> to vector<16xf32>
        %add3A_283 = arith.addf %add3A_259, %get3A_282 : vector<16xf32>
        %get3A_284 = arith.index_cast %add3A_273 : i32 to index
        %get3A_285 = arith.constant 32 : index
        %get3A_286 = tpu.vector_load %arg6[%get3A_284, %get3A_285] {strides = array<i32>} : memref<128x64xf32, #tpu.memory_space<vmem>>, vector<1x16xf32>,
        %get3A_287 = vector.shape_cast %get3A_286 : vector<1x16xf32> to vector<16xf32>
        %add3A_288 = arith.addf %add3A_264, %get3A_287 : vector<16xf32>
        %get3A_289 = arith.index_cast %add3A_273 : i32 to index
        %get3A_290 = arith.constant 48 : index
        %get3A_291 = tpu.vector_load %arg6[%get3A_289, %get3A_290] {strides = array<i32>} : memref<128x64xf32, #tpu.memory_space<vmem>>, vector<1x16xf32>,
        %get3A_292 = vector.shape_cast %get3A_291 : vector<1x16xf32> to vector<16xf32>
        %add3A_293 = arith.addf %add3A_269, %get3A_292 : vector<16xf32>
        %mul3A_294 = arith.constant 8 : i32
        %mul3A_295 = arith.muli %scan3A_194, %mul3A_294 : i32
        %add3A_296 = arith.constant 4 : i32
        %add3A_297 = arith.addi %mul3A_295, %add3A_296 : i32
        %get3A_298 = arith.index_cast %add3A_297 : i32 to index
        %get3A_299 = arith.constant 0 : index
        %get3A_300 = tpu.vector_load %arg6[%get3A_298, %get3A_299] {strides = array<i32>} : memref<128x64xf32, #tpu.memory_space<vmem>>, vector<1x16xf32>,
        %get3A_301 = vector.shape_cast %get3A_300 : vector<1x16xf32> to vector<16xf32>
        %add3A_302 = arith.addf %add3A_278, %get3A_301 : vector<16xf32>
        %get3A_303 = arith.index_cast %add3A_297 : i32 to index
        %get3A_304 = arith.constant 16 : index
        %get3A_305 = tpu.vector_load %arg6[%get3A_303, %get3A_304] {strides = array<i32>} : memref<128x64xf32, #tpu.memory_space<vmem>>, vector<1x16xf32>,
        %get3A_306 = vector.shape_cast %get3A_305 : vector<1x16xf32> to vector<16xf32>
        %add3A_307 = arith.addf %add3A_283, %get3A_306 : vector<16xf32>
        %get3A_308 = arith.index_cast %add3A_297 : i32 to index
        %get3A_309 = arith.constant 32 : index
        %get3A_310 = tpu.vector_load %arg6[%get3A_308, %get3A_309] {strides = array<i32>} : memref<128x64xf32, #tpu.memory_space<vmem>>, vector<1x16xf32>,
        %get3A_311 = vector.shape_cast %get3A_310 : vector<1x16xf32> to vector<16xf32>
        %add3A_312 = arith.addf %add3A_288, %get3A_311 : vector<16xf32>
        %get3A_313 = arith.index_cast %add3A_297 : i32 to index
        %get3A_314 = arith.constant 48 : index
        %get3A_315 = tpu.vector_load %arg6[%get3A_313, %get3A_314] {strides = array<i32>} : memref<128x64xf32, #tpu.memory_space<vmem>>, vector<1x16xf32>,
        %get3A_316 = vector.shape_cast %get3A_315 : vector<1x16xf32> to vector<16xf32>
        %add3A_317 = arith.addf %add3A_293, %get3A_316 : vector<16xf32>
        %mul3A_318 = arith.constant 8 : i32
        %mul3A_319 = arith.muli %scan3A_194, %mul3A_318 : i32
        %add3A_320 = arith.constant 5 : i32
        %add3A_321 = arith.addi %mul3A_319, %add3A_320 : i32
        %get3A_322 = arith.index_cast %add3A_321 : i32 to index
        %get3A_323 = arith.constant 0 : index
        %get3A_324 = tpu.vector_load %arg6[%get3A_322, %get3A_323] {strides = array<i32>} : memref<128x64xf32, #tpu.memory_space<vmem>>, vector<1x16xf32>,
        %get3A_325 = vector.shape_cast %get3A_324 : vector<1x16xf32> to vector<16xf32>
        %add3A_326 = arith.addf %add3A_302, %get3A_325 : vector<16xf32>
        %get3A_327 = arith.index_cast %add3A_321 : i32 to index
        %get3A_328 = arith.constant 16 : index
        %get3A_329 = tpu.vector_load %arg6[%get3A_327, %get3A_328] {strides = array<i32>} : memref<128x64xf32, #tpu.memory_space<vmem>>, vector<1x16xf32>,
        %get3A_330 = vector.shape_cast %get3A_329 : vector<1x16xf32> to vector<16xf32>
        %add3A_331 = arith.addf %add3A_307, %get3A_330 : vector<16xf32>
        %get3A_332 = arith.index_cast %add3A_321 : i32 to index
        %get3A_333 = arith.constant 32 : index
        %get3A_334 = tpu.vector_load %arg6[%get3A_332, %get3A_333] {strides = array<i32>} : memref<128x64xf32, #tpu.memory_space<vmem>>, vector<1x16xf32>,
        %get3A_335 = vector.shape_cast %get3A_334 : vector<1x16xf32> to vector<16xf32>
        %add3A_336 = arith.addf %add3A_312, %get3A_335 : vector<16xf32>
        %get3A_337 = arith.index_cast %add3A_321 : i32 to index
        %get3A_338 = arith.constant 48 : index
        %get3A_339 = tpu.vector_load %arg6[%get3A_337, %get3A_338] {strides = array<i32>} : memref<128x64xf32, #tpu.memory_space<vmem>>, vector<1x16xf32>,
        %get3A_340 = vector.shape_cast %get3A_339 : vector<1x16xf32> to vector<16xf32>
        %add3A_341 = arith.addf %add3A_317, %get3A_340 : vector<16xf32>
        %mul3A_342 = arith.constant 8 : i32
        %mul3A_343 = arith.muli %scan3A_194, %mul3A_342 : i32
        %add3A_344 = arith.constant 6 : i32
        %add3A_345 = arith.addi %mul3A_343, %add3A_344 : i32
        %get3A_346 = arith.index_cast %add3A_345 : i32 to index
        %get3A_347 = arith.constant 0 : index
        %get3A_348 = tpu.vector_load %arg6[%get3A_346, %get3A_347] {strides = array<i32>} : memref<128x64xf32, #tpu.memory_space<vmem>>, vector<1x16xf32>,
        %get3A_349 = vector.shape_cast %get3A_348 : vector<1x16xf32> to vector<16xf32>
        %add3A_350 = arith.addf %add3A_326, %get3A_349 : vector<16xf32>
        %get3A_351 = arith.index_cast %add3A_345 : i32 to index
        %get3A_352 = arith.constant 16 : index
        %get3A_353 = tpu.vector_load %arg6[%get3A_351, %get3A_352] {strides = array<i32>} : memref<128x64xf32, #tpu.memory_space<vmem>>, vector<1x16xf32>,
        %get3A_354 = vector.shape_cast %get3A_353 : vector<1x16xf32> to vector<16xf32>
        %add3A_355 = arith.addf %add3A_331, %get3A_354 : vector<16xf32>
        %get3A_356 = arith.index_cast %add3A_345 : i32 to index
        %get3A_357 = arith.constant 32 : index
        %get3A_358 = tpu.vector_load %arg6[%get3A_356, %get3A_357] {strides = array<i32>} : memref<128x64xf32, #tpu.memory_space<vmem>>, vector<1x16xf32>,
        %get3A_359 = vector.shape_cast %get3A_358 : vector<1x16xf32> to vector<16xf32>
        %add3A_360 = arith.addf %add3A_336, %get3A_359 : vector<16xf32>
        %get3A_361 = arith.index_cast %add3A_345 : i32 to index
        %get3A_362 = arith.constant 48 : index
        %get3A_363 = tpu.vector_load %arg6[%get3A_361, %get3A_362] {strides = array<i32>} : memref<128x64xf32, #tpu.memory_space<vmem>>, vector<1x16xf32>,
        %get3A_364 = vector.shape_cast %get3A_363 : vector<1x16xf32> to vector<16xf32>
        %add3A_365 = arith.addf %add3A_341, %get3A_364 : vector<16xf32>
        %mul3A_366 = arith.constant 8 : i32
        %mul3A_367 = arith.muli %scan3A_194, %mul3A_366 : i32
        %add3A_368 = arith.constant 7 : i32
        %add3A_369 = arith.addi %mul3A_367, %add3A_368 : i32
        %get3A_370 = arith.index_cast %add3A_369 : i32 to index
        %get3A_371 = arith.constant 0 : index
        %get3A_372 = tpu.vector_load %arg6[%get3A_370, %get3A_371] {strides = array<i32>} : memref<128x64xf32, #tpu.memory_space<vmem>>, vector<1x16xf32>,
        %get3A_373 = vector.shape_cast %get3A_372 : vector<1x16xf32> to vector<16xf32>
        %add3A_374 = arith.addf %add3A_350, %get3A_373 : vector<16xf32>
        %get3A_375 = arith.index_cast %add3A_369 : i32 to index
        %get3A_376 = arith.constant 16 : index
        %get3A_377 = tpu.vector_load %arg6[%get3A_375, %get3A_376] {strides = array<i32>} : memref<128x64xf32, #tpu.memory_space<vmem>>, vector<1x16xf32>,
        %get3A_378 = vector.shape_cast %get3A_377 : vector<1x16xf32> to vector<16xf32>
        %add3A_379 = arith.addf %add3A_355, %get3A_378 : vector<16xf32>
        %get3A_380 = arith.index_cast %add3A_369 : i32 to index
        %get3A_381 = arith.constant 32 : index
        %get3A_382 = tpu.vector_load %arg6[%get3A_380, %get3A_381] {strides = array<i32>} : memref<128x64xf32, #tpu.memory_space<vmem>>, vector<1x16xf32>,
        %get3A_383 = vector.shape_cast %get3A_382 : vector<1x16xf32> to vector<16xf32>
        %add3A_384 = arith.addf %add3A_360, %get3A_383 : vector<16xf32>
        %get3A_385 = arith.index_cast %add3A_369 : i32 to index
        %get3A_386 = arith.constant 48 : index
        %get3A_387 = tpu.vector_load %arg6[%get3A_385, %get3A_386] {strides = array<i32>} : memref<128x64xf32, #tpu.memory_space<vmem>>, vector<1x16xf32>,
        %get3A_388 = vector.shape_cast %get3A_387 : vector<1x16xf32> to vector<16xf32>
        %add3A_389 = arith.addf %add3A_365, %get3A_388 : vector<16xf32>
        scf.yield %add3A_374, %add3A_379, %add3A_384, %add3A_389 : vector<16xf32>, vector<16xf32>, vector<16xf32>, vector<16xf32>
      }
      %scan3A_73 = arith.constant 16 : i32
      %convert_element_type3A = arith.extui %lt3A_61 : i1 to i32
      %cond3A = arith.constant 0 : i32
      %cond3A_74 = arith.cmpi ne, %convert_element_type3A, %cond3A : i32
      scf.if %cond3A_74 {
        %add3A_194 = arith.constant 2 : i32
        %add3A_195 = arith.addi %mul3A_60, %add3A_194 : i32
        %dma_start3A_196 = arith.constant 0 : i32
        %dma_start3A_197 = tpu.memref_slice %arg5[%add3A_195, %dma_start3A_196] : memref<128x200xi32, #tpu.memory_space<vmem>> -> memref<1x128xi32, #tpu.memory_space<vmem>>
        %dma_start3A_198 = tpu.memref_squeeze %dma_start3A_197 : memref<1x128xi32, #tpu.memory_space<vmem>> -> memref<128xi32, #tpu.memory_space<vmem>>
        %dma_start3A_199 = arith.constant 0 : i32
        %dma_start3A_200 = arith.constant 0 : i32
        %dma_start3A_201 = tpu.memref_slice %arg3[%dma_start3A_199, %dma_start3A_200] : memref<1000000x64xf32, #tpu.memory_space<hbm>> -> memref<1000000x64xf32, #tpu.memory_space<hbm>>
        tpu.enqueue_indirect_dma source(%dma_start3A_201 : memref<1000000x64xf32, #tpu.memory_space<hbm>>) target(%arg6 : memref<128x64xf32, #tpu.memory_space<vmem>>) offsets(%dma_start3A_198 : memref<128xi32, #tpu.memory_space<vmem>>) semaphore(%arg11 : memref<!tpu.dma_semaphore, #tpu.memory_space<semaphore_mem>>)
      } else {
      }
      %dma_wait3A_75 = arith.constant 0 : i32
      %dma_wait3A_76 = arith.constant 0 : i32
      %dma_wait3A_77 = arith.constant 0 : i32
      %dma_wait3A_78 = tpu.memref_slice %arg7[%dma_wait3A_76, %dma_wait3A_77] : memref<80x64xf32, #tpu.memory_space<vmem>> -> memref<72x64xf32, #tpu.memory_space<vmem>>
      %dma_wait3A_79 = arith.constant 128 : i32
      %dma_wait3A_80 = tpu.memref_slice %arg5[%dma_wait3A_75, %dma_wait3A_79] : memref<128x200xi32, #tpu.memory_space<vmem>> -> memref<1x72xi32, #tpu.memory_space<vmem>>
      %dma_wait3A_81 = tpu.memref_squeeze %dma_wait3A_80 : memref<1x72xi32, #tpu.memory_space<vmem>> -> memref<72xi32, #tpu.memory_space<vmem>>
      %dma_wait3A_82 = arith.constant 0 : i32
      %dma_wait3A_83 = arith.constant 0 : i32
      %dma_wait3A_84 = tpu.memref_slice %arg3[%dma_wait3A_82, %dma_wait3A_83] : memref<1000000x64xf32, #tpu.memory_space<hbm>> -> memref<1000000x64xf32, #tpu.memory_space<hbm>>
      tpu.wait_indirect_dma semaphore(%arg12 : memref<!tpu.dma_semaphore, #tpu.memory_space<semaphore_mem>>) src(%dma_wait3A_84 : memref<1000000x64xf32, #tpu.memory_space<hbm>>) dst(%dma_wait3A_78 : memref<72x64xf32, #tpu.memory_space<vmem>>)
      %scan3A_85 = arith.constant 0 : i32
      %scan3A_86 = arith.constant 10 : i32
      %scan3A_87 = arith.addi %scan3A_85, %scan3A_86 : i32
      %scan3A_88 = arith.constant 1 : i32
      %scan3A_89:4 = scf.for %scan3A_194 = %scan3A_85 to %scan3A_87 step %scan3A_88 iter_args(%scan3A_195 = %scan3A_72#0, %scan3A_196 = %scan3A_72#1, %scan3A_197 = %scan3A_72#2, %scan3A_198 = %scan3A_72#3) -> (vector<16xf32>, vector<16xf32>, vector<16xf32>, vector<16xf32>)  : i32 {
        %mul3A_199 = arith.constant 8 : i32
        %mul3A_200 = arith.muli %scan3A_194, %mul3A_199 : i32
        %add3A_201 = arith.constant 0 : i32
        %add3A_202 = arith.addi %mul3A_200, %add3A_201 : i32
        %get3A = arith.index_cast %add3A_202 : i32 to index
        %get3A_203 = arith.constant 0 : index
        %get3A_204 = tpu.vector_load %arg7[%get3A, %get3A_203] {strides = array<i32>} : memref<80x64xf32, #tpu.memory_space<vmem>>, vector<1x16xf32>,
        %get3A_205 = vector.shape_cast %get3A_204 : vector<1x16xf32> to vector<16xf32>
        %add3A_206 = arith.addf %scan3A_195, %get3A_205 : vector<16xf32>
        %get3A_207 = arith.index_cast %add3A_202 : i32 to index
        %get3A_208 = arith.constant 16 : index
        %get3A_209 = tpu.vector_load %arg7[%get3A_207, %get3A_208] {strides = array<i32>} : memref<80x64xf32, #tpu.memory_space<vmem>>, vector<1x16xf32>,
        %get3A_210 = vector.shape_cast %get3A_209 : vector<1x16xf32> to vector<16xf32>
        %add3A_211 = arith.addf %scan3A_196, %get3A_210 : vector<16xf32>
        %get3A_212 = arith.index_cast %add3A_202 : i32 to index
        %get3A_213 = arith.constant 32 : index
        %get3A_214 = tpu.vector_load %arg7[%get3A_212, %get3A_213] {strides = array<i32>} : memref<80x64xf32, #tpu.memory_space<vmem>>, vector<1x16xf32>,
        %get3A_215 = vector.shape_cast %get3A_214 : vector<1x16xf32> to vector<16xf32>
        %add3A_216 = arith.addf %scan3A_197, %get3A_215 : vector<16xf32>
        %get3A_217 = arith.index_cast %add3A_202 : i32 to index
        %get3A_218 = arith.constant 48 : index
        %get3A_219 = tpu.vector_load %arg7[%get3A_217, %get3A_218] {strides = array<i32>} : memref<80x64xf32, #tpu.memory_space<vmem>>, vector<1x16xf32>,
        %get3A_220 = vector.shape_cast %get3A_219 : vector<1x16xf32> to vector<16xf32>
        %add3A_221 = arith.addf %scan3A_198, %get3A_220 : vector<16xf32>
        %mul3A_222 = arith.constant 8 : i32
        %mul3A_223 = arith.muli %scan3A_194, %mul3A_222 : i32
        %add3A_224 = arith.constant 1 : i32
        %add3A_225 = arith.addi %mul3A_223, %add3A_224 : i32
        %get3A_226 = arith.index_cast %add3A_225 : i32 to index
        %get3A_227 = arith.constant 0 : index
        %get3A_228 = tpu.vector_load %arg7[%get3A_226, %get3A_227] {strides = array<i32>} : memref<80x64xf32, #tpu.memory_space<vmem>>, vector<1x16xf32>,
        %get3A_229 = vector.shape_cast %get3A_228 : vector<1x16xf32> to vector<16xf32>
        %add3A_230 = arith.addf %add3A_206, %get3A_229 : vector<16xf32>
        %get3A_231 = arith.index_cast %add3A_225 : i32 to index
        %get3A_232 = arith.constant 16 : index
        %get3A_233 = tpu.vector_load %arg7[%get3A_231, %get3A_232] {strides = array<i32>} : memref<80x64xf32, #tpu.memory_space<vmem>>, vector<1x16xf32>,
        %get3A_234 = vector.shape_cast %get3A_233 : vector<1x16xf32> to vector<16xf32>
        %add3A_235 = arith.addf %add3A_211, %get3A_234 : vector<16xf32>
        %get3A_236 = arith.index_cast %add3A_225 : i32 to index
        %get3A_237 = arith.constant 32 : index
        %get3A_238 = tpu.vector_load %arg7[%get3A_236, %get3A_237] {strides = array<i32>} : memref<80x64xf32, #tpu.memory_space<vmem>>, vector<1x16xf32>,
        %get3A_239 = vector.shape_cast %get3A_238 : vector<1x16xf32> to vector<16xf32>
        %add3A_240 = arith.addf %add3A_216, %get3A_239 : vector<16xf32>
        %get3A_241 = arith.index_cast %add3A_225 : i32 to index
        %get3A_242 = arith.constant 48 : index
        %get3A_243 = tpu.vector_load %arg7[%get3A_241, %get3A_242] {strides = array<i32>} : memref<80x64xf32, #tpu.memory_space<vmem>>, vector<1x16xf32>,
        %get3A_244 = vector.shape_cast %get3A_243 : vector<1x16xf32> to vector<16xf32>
        %add3A_245 = arith.addf %add3A_221, %get3A_244 : vector<16xf32>
        %mul3A_246 = arith.constant 8 : i32
        %mul3A_247 = arith.muli %scan3A_194, %mul3A_246 : i32
        %add3A_248 = arith.constant 2 : i32
        %add3A_249 = arith.addi %mul3A_247, %add3A_248 : i32
        %get3A_250 = arith.index_cast %add3A_249 : i32 to index
        %get3A_251 = arith.constant 0 : index
        %get3A_252 = tpu.vector_load %arg7[%get3A_250, %get3A_251] {strides = array<i32>} : memref<80x64xf32, #tpu.memory_space<vmem>>, vector<1x16xf32>,
        %get3A_253 = vector.shape_cast %get3A_252 : vector<1x16xf32> to vector<16xf32>
        %add3A_254 = arith.addf %add3A_230, %get3A_253 : vector<16xf32>
        %get3A_255 = arith.index_cast %add3A_249 : i32 to index
        %get3A_256 = arith.constant 16 : index
        %get3A_257 = tpu.vector_load %arg7[%get3A_255, %get3A_256] {strides = array<i32>} : memref<80x64xf32, #tpu.memory_space<vmem>>, vector<1x16xf32>,
        %get3A_258 = vector.shape_cast %get3A_257 : vector<1x16xf32> to vector<16xf32>
        %add3A_259 = arith.addf %add3A_235, %get3A_258 : vector<16xf32>
        %get3A_260 = arith.index_cast %add3A_249 : i32 to index
        %get3A_261 = arith.constant 32 : index
        %get3A_262 = tpu.vector_load %arg7[%get3A_260, %get3A_261] {strides = array<i32>} : memref<80x64xf32, #tpu.memory_space<vmem>>, vector<1x16xf32>,
        %get3A_263 = vector.shape_cast %get3A_262 : vector<1x16xf32> to vector<16xf32>
        %add3A_264 = arith.addf %add3A_240, %get3A_263 : vector<16xf32>
        %get3A_265 = arith.index_cast %add3A_249 : i32 to index
        %get3A_266 = arith.constant 48 : index
        %get3A_267 = tpu.vector_load %arg7[%get3A_265, %get3A_266] {strides = array<i32>} : memref<80x64xf32, #tpu.memory_space<vmem>>, vector<1x16xf32>,
        %get3A_268 = vector.shape_cast %get3A_267 : vector<1x16xf32> to vector<16xf32>
        %add3A_269 = arith.addf %add3A_245, %get3A_268 : vector<16xf32>
        %mul3A_270 = arith.constant 8 : i32
        %mul3A_271 = arith.muli %scan3A_194, %mul3A_270 : i32
        %add3A_272 = arith.constant 3 : i32
        %add3A_273 = arith.addi %mul3A_271, %add3A_272 : i32
        %get3A_274 = arith.index_cast %add3A_273 : i32 to index
        %get3A_275 = arith.constant 0 : index
        %get3A_276 = tpu.vector_load %arg7[%get3A_274, %get3A_275] {strides = array<i32>} : memref<80x64xf32, #tpu.memory_space<vmem>>, vector<1x16xf32>,
        %get3A_277 = vector.shape_cast %get3A_276 : vector<1x16xf32> to vector<16xf32>
        %add3A_278 = arith.addf %add3A_254, %get3A_277 : vector<16xf32>
        %get3A_279 = arith.index_cast %add3A_273 : i32 to index
        %get3A_280 = arith.constant 16 : index
        %get3A_281 = tpu.vector_load %arg7[%get3A_279, %get3A_280] {strides = array<i32>} : memref<80x64xf32, #tpu.memory_space<vmem>>, vector<1x16xf32>,
        %get3A_282 = vector.shape_cast %get3A_281 : vector<1x16xf32> to vector<16xf32>
        %add3A_283 = arith.addf %add3A_259, %get3A_282 : vector<16xf32>
        %get3A_284 = arith.index_cast %add3A_273 : i32 to index
        %get3A_285 = arith.constant 32 : index
        %get3A_286 = tpu.vector_load %arg7[%get3A_284, %get3A_285] {strides = array<i32>} : memref<80x64xf32, #tpu.memory_space<vmem>>, vector<1x16xf32>,
        %get3A_287 = vector.shape_cast %get3A_286 : vector<1x16xf32> to vector<16xf32>
        %add3A_288 = arith.addf %add3A_264, %get3A_287 : vector<16xf32>
        %get3A_289 = arith.index_cast %add3A_273 : i32 to index
        %get3A_290 = arith.constant 48 : index
        %get3A_291 = tpu.vector_load %arg7[%get3A_289, %get3A_290] {strides = array<i32>} : memref<80x64xf32, #tpu.memory_space<vmem>>, vector<1x16xf32>,
        %get3A_292 = vector.shape_cast %get3A_291 : vector<1x16xf32> to vector<16xf32>
        %add3A_293 = arith.addf %add3A_269, %get3A_292 : vector<16xf32>
        %mul3A_294 = arith.constant 8 : i32
        %mul3A_295 = arith.muli %scan3A_194, %mul3A_294 : i32
        %add3A_296 = arith.constant 4 : i32
        %add3A_297 = arith.addi %mul3A_295, %add3A_296 : i32
        %get3A_298 = arith.index_cast %add3A_297 : i32 to index
        %get3A_299 = arith.constant 0 : index
        %get3A_300 = tpu.vector_load %arg7[%get3A_298, %get3A_299] {strides = array<i32>} : memref<80x64xf32, #tpu.memory_space<vmem>>, vector<1x16xf32>,
        %get3A_301 = vector.shape_cast %get3A_300 : vector<1x16xf32> to vector<16xf32>
        %add3A_302 = arith.addf %add3A_278, %get3A_301 : vector<16xf32>
        %get3A_303 = arith.index_cast %add3A_297 : i32 to index
        %get3A_304 = arith.constant 16 : index
        %get3A_305 = tpu.vector_load %arg7[%get3A_303, %get3A_304] {strides = array<i32>} : memref<80x64xf32, #tpu.memory_space<vmem>>, vector<1x16xf32>,
        %get3A_306 = vector.shape_cast %get3A_305 : vector<1x16xf32> to vector<16xf32>
        %add3A_307 = arith.addf %add3A_283, %get3A_306 : vector<16xf32>
        %get3A_308 = arith.index_cast %add3A_297 : i32 to index
        %get3A_309 = arith.constant 32 : index
        %get3A_310 = tpu.vector_load %arg7[%get3A_308, %get3A_309] {strides = array<i32>} : memref<80x64xf32, #tpu.memory_space<vmem>>, vector<1x16xf32>,
        %get3A_311 = vector.shape_cast %get3A_310 : vector<1x16xf32> to vector<16xf32>
        %add3A_312 = arith.addf %add3A_288, %get3A_311 : vector<16xf32>
        %get3A_313 = arith.index_cast %add3A_297 : i32 to index
        %get3A_314 = arith.constant 48 : index
        %get3A_315 = tpu.vector_load %arg7[%get3A_313, %get3A_314] {strides = array<i32>} : memref<80x64xf32, #tpu.memory_space<vmem>>, vector<1x16xf32>,
        %get3A_316 = vector.shape_cast %get3A_315 : vector<1x16xf32> to vector<16xf32>
        %add3A_317 = arith.addf %add3A_293, %get3A_316 : vector<16xf32>
        %mul3A_318 = arith.constant 8 : i32
        %mul3A_319 = arith.muli %scan3A_194, %mul3A_318 : i32
        %add3A_320 = arith.constant 5 : i32
        %add3A_321 = arith.addi %mul3A_319, %add3A_320 : i32
        %get3A_322 = arith.index_cast %add3A_321 : i32 to index
        %get3A_323 = arith.constant 0 : index
        %get3A_324 = tpu.vector_load %arg7[%get3A_322, %get3A_323] {strides = array<i32>} : memref<80x64xf32, #tpu.memory_space<vmem>>, vector<1x16xf32>,
        %get3A_325 = vector.shape_cast %get3A_324 : vector<1x16xf32> to vector<16xf32>
        %add3A_326 = arith.addf %add3A_302, %get3A_325 : vector<16xf32>
        %get3A_327 = arith.index_cast %add3A_321 : i32 to index
        %get3A_328 = arith.constant 16 : index
        %get3A_329 = tpu.vector_load %arg7[%get3A_327, %get3A_328] {strides = array<i32>} : memref<80x64xf32, #tpu.memory_space<vmem>>, vector<1x16xf32>,
        %get3A_330 = vector.shape_cast %get3A_329 : vector<1x16xf32> to vector<16xf32>
        %add3A_331 = arith.addf %add3A_307, %get3A_330 : vector<16xf32>
        %get3A_332 = arith.index_cast %add3A_321 : i32 to index
        %get3A_333 = arith.constant 32 : index
        %get3A_334 = tpu.vector_load %arg7[%get3A_332, %get3A_333] {strides = array<i32>} : memref<80x64xf32, #tpu.memory_space<vmem>>, vector<1x16xf32>,
        %get3A_335 = vector.shape_cast %get3A_334 : vector<1x16xf32> to vector<16xf32>
        %add3A_336 = arith.addf %add3A_312, %get3A_335 : vector<16xf32>
        %get3A_337 = arith.index_cast %add3A_321 : i32 to index
        %get3A_338 = arith.constant 48 : index
        %get3A_339 = tpu.vector_load %arg7[%get3A_337, %get3A_338] {strides = array<i32>} : memref<80x64xf32, #tpu.memory_space<vmem>>, vector<1x16xf32>,
        %get3A_340 = vector.shape_cast %get3A_339 : vector<1x16xf32> to vector<16xf32>
        %add3A_341 = arith.addf %add3A_317, %get3A_340 : vector<16xf32>
        %mul3A_342 = arith.constant 8 : i32
        %mul3A_343 = arith.muli %scan3A_194, %mul3A_342 : i32
        %add3A_344 = arith.constant 6 : i32
        %add3A_345 = arith.addi %mul3A_343, %add3A_344 : i32
        %get3A_346 = arith.index_cast %add3A_345 : i32 to index
        %get3A_347 = arith.constant 0 : index
        %get3A_348 = tpu.vector_load %arg7[%get3A_346, %get3A_347] {strides = array<i32>} : memref<80x64xf32, #tpu.memory_space<vmem>>, vector<1x16xf32>,
        %get3A_349 = vector.shape_cast %get3A_348 : vector<1x16xf32> to vector<16xf32>
        %add3A_350 = arith.addf %add3A_326, %get3A_349 : vector<16xf32>
        %get3A_351 = arith.index_cast %add3A_345 : i32 to index
        %get3A_352 = arith.constant 16 : index
        %get3A_353 = tpu.vector_load %arg7[%get3A_351, %get3A_352] {strides = array<i32>} : memref<80x64xf32, #tpu.memory_space<vmem>>, vector<1x16xf32>,
        %get3A_354 = vector.shape_cast %get3A_353 : vector<1x16xf32> to vector<16xf32>
        %add3A_355 = arith.addf %add3A_331, %get3A_354 : vector<16xf32>
        %get3A_356 = arith.index_cast %add3A_345 : i32 to index
        %get3A_357 = arith.constant 32 : index
        %get3A_358 = tpu.vector_load %arg7[%get3A_356, %get3A_357] {strides = array<i32>} : memref<80x64xf32, #tpu.memory_space<vmem>>, vector<1x16xf32>,
        %get3A_359 = vector.shape_cast %get3A_358 : vector<1x16xf32> to vector<16xf32>
        %add3A_360 = arith.addf %add3A_336, %get3A_359 : vector<16xf32>
        %get3A_361 = arith.index_cast %add3A_345 : i32 to index
        %get3A_362 = arith.constant 48 : index
        %get3A_363 = tpu.vector_load %arg7[%get3A_361, %get3A_362] {strides = array<i32>} : memref<80x64xf32, #tpu.memory_space<vmem>>, vector<1x16xf32>,
        %get3A_364 = vector.shape_cast %get3A_363 : vector<1x16xf32> to vector<16xf32>
        %add3A_365 = arith.addf %add3A_341, %get3A_364 : vector<16xf32>
        %mul3A_366 = arith.constant 8 : i32
        %mul3A_367 = arith.muli %scan3A_194, %mul3A_366 : i32
        %add3A_368 = arith.constant 7 : i32
        %add3A_369 = arith.addi %mul3A_367, %add3A_368 : i32
        %get3A_370 = arith.index_cast %add3A_369 : i32 to index
        %get3A_371 = arith.constant 0 : index
        %get3A_372 = tpu.vector_load %arg7[%get3A_370, %get3A_371] {strides = array<i32>} : memref<80x64xf32, #tpu.memory_space<vmem>>, vector<1x16xf32>,
        %get3A_373 = vector.shape_cast %get3A_372 : vector<1x16xf32> to vector<16xf32>
        %add3A_374 = arith.addf %add3A_350, %get3A_373 : vector<16xf32>
        %get3A_375 = arith.index_cast %add3A_369 : i32 to index
        %get3A_376 = arith.constant 16 : index
        %get3A_377 = tpu.vector_load %arg7[%get3A_375, %get3A_376] {strides = array<i32>} : memref<80x64xf32, #tpu.memory_space<vmem>>, vector<1x16xf32>,
        %get3A_378 = vector.shape_cast %get3A_377 : vector<1x16xf32> to vector<16xf32>
        %add3A_379 = arith.addf %add3A_355, %get3A_378 : vector<16xf32>
        %get3A_380 = arith.index_cast %add3A_369 : i32 to index
        %get3A_381 = arith.constant 32 : index
        %get3A_382 = tpu.vector_load %arg7[%get3A_380, %get3A_381] {strides = array<i32>} : memref<80x64xf32, #tpu.memory_space<vmem>>, vector<1x16xf32>,
        %get3A_383 = vector.shape_cast %get3A_382 : vector<1x16xf32> to vector<16xf32>
        %add3A_384 = arith.addf %add3A_360, %get3A_383 : vector<16xf32>
        %get3A_385 = arith.index_cast %add3A_369 : i32 to index
        %get3A_386 = arith.constant 48 : index
        %get3A_387 = tpu.vector_load %arg7[%get3A_385, %get3A_386] {strides = array<i32>} : memref<80x64xf32, #tpu.memory_space<vmem>>, vector<1x16xf32>,
        %get3A_388 = vector.shape_cast %get3A_387 : vector<1x16xf32> to vector<16xf32>
        %add3A_389 = arith.addf %add3A_365, %get3A_388 : vector<16xf32>
        scf.yield %add3A_374, %add3A_379, %add3A_384, %add3A_389 : vector<16xf32>, vector<16xf32>, vector<16xf32>, vector<16xf32>
      }
      %scan3A_90 = arith.constant 10 : i32
      %convert_element_type3A_91 = arith.extui %lt3A_61 : i1 to i32
      %cond3A_92 = arith.constant 0 : i32
      %cond3A_93 = arith.cmpi ne, %convert_element_type3A_91, %cond3A_92 : i32
      scf.if %cond3A_93 {
        %add3A_194 = arith.constant 2 : i32
        %add3A_195 = arith.addi %mul3A_60, %add3A_194 : i32
        %dma_start3A_196 = arith.constant 0 : i32
        %dma_start3A_197 = arith.constant 0 : i32
        %dma_start3A_198 = tpu.memref_slice %arg7[%dma_start3A_196, %dma_start3A_197] : memref<80x64xf32, #tpu.memory_space<vmem>> -> memref<72x64xf32, #tpu.memory_space<vmem>>
        %dma_start3A_199 = arith.constant 128 : i32
        %dma_start3A_200 = tpu.memref_slice %arg5[%add3A_195, %dma_start3A_199] : memref<128x200xi32, #tpu.memory_space<vmem>> -> memref<1x72xi32, #tpu.memory_space<vmem>>
        %dma_start3A_201 = tpu.memref_squeeze %dma_start3A_200 : memref<1x72xi32, #tpu.memory_space<vmem>> -> memref<72xi32, #tpu.memory_space<vmem>>
        %dma_start3A_202 = arith.constant 0 : i32
        %dma_start3A_203 = arith.constant 0 : i32
        %dma_start3A_204 = tpu.memref_slice %arg3[%dma_start3A_202, %dma_start3A_203] : memref<1000000x64xf32, #tpu.memory_space<hbm>> -> memref<1000000x64xf32, #tpu.memory_space<hbm>>
        tpu.enqueue_indirect_dma source(%dma_start3A_204 : memref<1000000x64xf32, #tpu.memory_space<hbm>>) target(%dma_start3A_198 : memref<72x64xf32, #tpu.memory_space<vmem>>) offsets(%dma_start3A_201 : memref<72xi32, #tpu.memory_space<vmem>>) semaphore(%arg12 : memref<!tpu.dma_semaphore, #tpu.memory_space<semaphore_mem>>)
      } else {
      }
      %mul3A_94 = arith.constant 5.000000e-03 : f32
      %mul3A_95 = vector.broadcast %mul3A_94 : f32 to vector<16xf32>
      %mul3A_96 = arith.mulf %scan3A_89#0, %mul3A_95 : vector<16xf32>
      %swap3A = arith.index_cast %mul3A_60 : i32 to index
      %swap3A_97 = arith.constant 0 : index
      %swap3A_98 = tpu.vector_load %arg10[%swap3A, %swap3A_97] {strides = array<i32>} : memref<128x64xf32, #tpu.memory_space<vmem>>, vector<1x16xf32>,
      %swap3A_99 = vector.shape_cast %swap3A_98 : vector<1x16xf32> to vector<16xf32>
      %swap3A_100 = vector.shape_cast %mul3A_96 : vector<16xf32> to vector<1x16xf32>
      tpu.vector_store %arg10[%swap3A, %swap3A_97], %swap3A_100 {strides = array<i32>} : memref<128x64xf32, #tpu.memory_space<vmem>>, vector<1x16xf32>,
      %mul3A_101 = arith.constant 5.000000e-03 : f32
      %mul3A_102 = vector.broadcast %mul3A_101 : f32 to vector<16xf32>
      %mul3A_103 = arith.mulf %scan3A_89#1, %mul3A_102 : vector<16xf32>
      %swap3A_104 = arith.index_cast %mul3A_60 : i32 to index
      %swap3A_105 = arith.constant 16 : index
      %swap3A_106 = tpu.vector_load %arg10[%swap3A_104, %swap3A_105] {strides = array<i32>} : memref<128x64xf32, #tpu.memory_space<vmem>>, vector<1x16xf32>,
      %swap3A_107 = vector.shape_cast %swap3A_106 : vector<1x16xf32> to vector<16xf32>
      %swap3A_108 = vector.shape_cast %mul3A_103 : vector<16xf32> to vector<1x16xf32>
      tpu.vector_store %arg10[%swap3A_104, %swap3A_105], %swap3A_108 {strides = array<i32>} : memref<128x64xf32, #tpu.memory_space<vmem>>, vector<1x16xf32>,
      %mul3A_109 = arith.constant 5.000000e-03 : f32
      %mul3A_110 = vector.broadcast %mul3A_109 : f32 to vector<16xf32>
      %mul3A_111 = arith.mulf %scan3A_89#2, %mul3A_110 : vector<16xf32>
      %swap3A_112 = arith.index_cast %mul3A_60 : i32 to index
      %swap3A_113 = arith.constant 32 : index
      %swap3A_114 = tpu.vector_load %arg10[%swap3A_112, %swap3A_113] {strides = array<i32>} : memref<128x64xf32, #tpu.memory_space<vmem>>, vector<1x16xf32>,
      %swap3A_115 = vector.shape_cast %swap3A_114 : vector<1x16xf32> to vector<16xf32>
      %swap3A_116 = vector.shape_cast %mul3A_111 : vector<16xf32> to vector<1x16xf32>
      tpu.vector_store %arg10[%swap3A_112, %swap3A_113], %swap3A_116 {strides = array<i32>} : memref<128x64xf32, #tpu.memory_space<vmem>>, vector<1x16xf32>,
      %mul3A_117 = arith.constant 5.000000e-03 : f32
      %mul3A_118 = vector.broadcast %mul3A_117 : f32 to vector<16xf32>
      %mul3A_119 = arith.mulf %scan3A_89#3, %mul3A_118 : vector<16xf32>
      %swap3A_120 = arith.index_cast %mul3A_60 : i32 to index
      %swap3A_121 = arith.constant 48 : index
      %swap3A_122 = tpu.vector_load %arg10[%swap3A_120, %swap3A_121] {strides = array<i32>} : memref<128x64xf32, #tpu.memory_space<vmem>>, vector<1x16xf32>,
      %swap3A_123 = vector.shape_cast %swap3A_122 : vector<1x16xf32> to vector<16xf32>
      %swap3A_124 = vector.shape_cast %mul3A_119 : vector<16xf32> to vector<1x16xf32>
      tpu.vector_store %arg10[%swap3A_120, %swap3A_121], %swap3A_124 {strides = array<i32>} : memref<128x64xf32, #tpu.memory_space<vmem>>, vector<1x16xf32>,
      %dma_wait3A_125 = arith.constant 0 : i32
      %dma_wait3A_126 = arith.constant 0 : i32
      %dma_wait3A_127 = tpu.memref_slice %arg5[%dma_wait3A_125, %dma_wait3A_126] : memref<128x200xi32, #tpu.memory_space<vmem>> -> memref<1x128xi32, #tpu.memory_space<vmem>>
      %dma_wait3A_128 = tpu.memref_squeeze %dma_wait3A_127 : memref<1x128xi32, #tpu.memory_space<vmem>> -> memref<128xi32, #tpu.memory_space<vmem>>
      %dma_wait3A_129 = arith.constant 0 : i32
      %dma_wait3A_130 = arith.constant 0 : i32
      %dma_wait3A_131 = tpu.memref_slice %arg3[%dma_wait3A_129, %dma_wait3A_130] : memref<1000000x64xf32, #tpu.memory_space<hbm>> -> memref<1000000x64xf32, #tpu.memory_space<hbm>>
      tpu.wait_indirect_dma semaphore(%arg13 : memref<!tpu.dma_semaphore, #tpu.memory_space<semaphore_mem>>) src(%dma_wait3A_131 : memref<1000000x64xf32, #tpu.memory_space<hbm>>) dst(%arg8 : memref<128x64xf32, #tpu.memory_space<vmem>>)
      %scan3A_132 = arith.constant 0 : i32
      %scan3A_133 = arith.constant 16 : i32
      %scan3A_134 = arith.addi %scan3A_132, %scan3A_133 : i32
      %scan3A_135 = arith.constant 1 : i32
      %scan3A_136:4 = scf.for %scan3A_194 = %scan3A_132 to %scan3A_134 step %scan3A_135 iter_args(%scan3A_195 = %broadcast_in_dim3A_18, %scan3A_196 = %broadcast_in_dim3A_18, %scan3A_197 = %broadcast_in_dim3A_18, %scan3A_198 = %broadcast_in_dim3A_18) -> (vector<16xf32>, vector<16xf32>, vector<16xf32>, vector<16xf32>)  : i32 {
        %mul3A_199 = arith.constant 8 : i32
        %mul3A_200 = arith.muli %scan3A_194, %mul3A_199 : i32
        %add3A_201 = arith.constant 0 : i32
        %add3A_202 = arith.addi %mul3A_200, %add3A_201 : i32
        %get3A = arith.index_cast %add3A_202 : i32 to index
        %get3A_203 = arith.constant 0 : index
        %get3A_204 = tpu.vector_load %arg8[%get3A, %get3A_203] {strides = array<i32>} : memref<128x64xf32, #tpu.memory_space<vmem>>, vector<1x16xf32>,
        %get3A_205 = vector.shape_cast %get3A_204 : vector<1x16xf32> to vector<16xf32>
        %add3A_206 = arith.addf %scan3A_195, %get3A_205 : vector<16xf32>
        %get3A_207 = arith.index_cast %add3A_202 : i32 to index
        %get3A_208 = arith.constant 16 : index
        %get3A_209 = tpu.vector_load %arg8[%get3A_207, %get3A_208] {strides = array<i32>} : memref<128x64xf32, #tpu.memory_space<vmem>>, vector<1x16xf32>,
        %get3A_210 = vector.shape_cast %get3A_209 : vector<1x16xf32> to vector<16xf32>
        %add3A_211 = arith.addf %scan3A_196, %get3A_210 : vector<16xf32>
        %get3A_212 = arith.index_cast %add3A_202 : i32 to index
        %get3A_213 = arith.constant 32 : index
        %get3A_214 = tpu.vector_load %arg8[%get3A_212, %get3A_213] {strides = array<i32>} : memref<128x64xf32, #tpu.memory_space<vmem>>, vector<1x16xf32>,
        %get3A_215 = vector.shape_cast %get3A_214 : vector<1x16xf32> to vector<16xf32>
        %add3A_216 = arith.addf %scan3A_197, %get3A_215 : vector<16xf32>
        %get3A_217 = arith.index_cast %add3A_202 : i32 to index
        %get3A_218 = arith.constant 48 : index
        %get3A_219 = tpu.vector_load %arg8[%get3A_217, %get3A_218] {strides = array<i32>} : memref<128x64xf32, #tpu.memory_space<vmem>>, vector<1x16xf32>,
        %get3A_220 = vector.shape_cast %get3A_219 : vector<1x16xf32> to vector<16xf32>
        %add3A_221 = arith.addf %scan3A_198, %get3A_220 : vector<16xf32>
        %mul3A_222 = arith.constant 8 : i32
        %mul3A_223 = arith.muli %scan3A_194, %mul3A_222 : i32
        %add3A_224 = arith.constant 1 : i32
        %add3A_225 = arith.addi %mul3A_223, %add3A_224 : i32
        %get3A_226 = arith.index_cast %add3A_225 : i32 to index
        %get3A_227 = arith.constant 0 : index
        %get3A_228 = tpu.vector_load %arg8[%get3A_226, %get3A_227] {strides = array<i32>} : memref<128x64xf32, #tpu.memory_space<vmem>>, vector<1x16xf32>,
        %get3A_229 = vector.shape_cast %get3A_228 : vector<1x16xf32> to vector<16xf32>
        %add3A_230 = arith.addf %add3A_206, %get3A_229 : vector<16xf32>
        %get3A_231 = arith.index_cast %add3A_225 : i32 to index
        %get3A_232 = arith.constant 16 : index
        %get3A_233 = tpu.vector_load %arg8[%get3A_231, %get3A_232] {strides = array<i32>} : memref<128x64xf32, #tpu.memory_space<vmem>>, vector<1x16xf32>,
        %get3A_234 = vector.shape_cast %get3A_233 : vector<1x16xf32> to vector<16xf32>
        %add3A_235 = arith.addf %add3A_211, %get3A_234 : vector<16xf32>
        %get3A_236 = arith.index_cast %add3A_225 : i32 to index
        %get3A_237 = arith.constant 32 : index
        %get3A_238 = tpu.vector_load %arg8[%get3A_236, %get3A_237] {strides = array<i32>} : memref<128x64xf32, #tpu.memory_space<vmem>>, vector<1x16xf32>,
        %get3A_239 = vector.shape_cast %get3A_238 : vector<1x16xf32> to vector<16xf32>
        %add3A_240 = arith.addf %add3A_216, %get3A_239 : vector<16xf32>
        %get3A_241 = arith.index_cast %add3A_225 : i32 to index
        %get3A_242 = arith.constant 48 : index
        %get3A_243 = tpu.vector_load %arg8[%get3A_241, %get3A_242] {strides = array<i32>} : memref<128x64xf32, #tpu.memory_space<vmem>>, vector<1x16xf32>,
        %get3A_244 = vector.shape_cast %get3A_243 : vector<1x16xf32> to vector<16xf32>
        %add3A_245 = arith.addf %add3A_221, %get3A_244 : vector<16xf32>
        %mul3A_246 = arith.constant 8 : i32
        %mul3A_247 = arith.muli %scan3A_194, %mul3A_246 : i32
        %add3A_248 = arith.constant 2 : i32
        %add3A_249 = arith.addi %mul3A_247, %add3A_248 : i32
        %get3A_250 = arith.index_cast %add3A_249 : i32 to index
        %get3A_251 = arith.constant 0 : index
        %get3A_252 = tpu.vector_load %arg8[%get3A_250, %get3A_251] {strides = array<i32>} : memref<128x64xf32, #tpu.memory_space<vmem>>, vector<1x16xf32>,
        %get3A_253 = vector.shape_cast %get3A_252 : vector<1x16xf32> to vector<16xf32>
        %add3A_254 = arith.addf %add3A_230, %get3A_253 : vector<16xf32>
        %get3A_255 = arith.index_cast %add3A_249 : i32 to index
        %get3A_256 = arith.constant 16 : index
        %get3A_257 = tpu.vector_load %arg8[%get3A_255, %get3A_256] {strides = array<i32>} : memref<128x64xf32, #tpu.memory_space<vmem>>, vector<1x16xf32>,
        %get3A_258 = vector.shape_cast %get3A_257 : vector<1x16xf32> to vector<16xf32>
        %add3A_259 = arith.addf %add3A_235, %get3A_258 : vector<16xf32>
        %get3A_260 = arith.index_cast %add3A_249 : i32 to index
        %get3A_261 = arith.constant 32 : index
        %get3A_262 = tpu.vector_load %arg8[%get3A_260, %get3A_261] {strides = array<i32>} : memref<128x64xf32, #tpu.memory_space<vmem>>, vector<1x16xf32>,
        %get3A_263 = vector.shape_cast %get3A_262 : vector<1x16xf32> to vector<16xf32>
        %add3A_264 = arith.addf %add3A_240, %get3A_263 : vector<16xf32>
        %get3A_265 = arith.index_cast %add3A_249 : i32 to index
        %get3A_266 = arith.constant 48 : index
        %get3A_267 = tpu.vector_load %arg8[%get3A_265, %get3A_266] {strides = array<i32>} : memref<128x64xf32, #tpu.memory_space<vmem>>, vector<1x16xf32>,
        %get3A_268 = vector.shape_cast %get3A_267 : vector<1x16xf32> to vector<16xf32>
        %add3A_269 = arith.addf %add3A_245, %get3A_268 : vector<16xf32>
        %mul3A_270 = arith.constant 8 : i32
        %mul3A_271 = arith.muli %scan3A_194, %mul3A_270 : i32
        %add3A_272 = arith.constant 3 : i32
        %add3A_273 = arith.addi %mul3A_271, %add3A_272 : i32
        %get3A_274 = arith.index_cast %add3A_273 : i32 to index
        %get3A_275 = arith.constant 0 : index
        %get3A_276 = tpu.vector_load %arg8[%get3A_274, %get3A_275] {strides = array<i32>} : memref<128x64xf32, #tpu.memory_space<vmem>>, vector<1x16xf32>,
        %get3A_277 = vector.shape_cast %get3A_276 : vector<1x16xf32> to vector<16xf32>
        %add3A_278 = arith.addf %add3A_254, %get3A_277 : vector<16xf32>
        %get3A_279 = arith.index_cast %add3A_273 : i32 to index
        %get3A_280 = arith.constant 16 : index
        %get3A_281 = tpu.vector_load %arg8[%get3A_279, %get3A_280] {strides = array<i32>} : memref<128x64xf32, #tpu.memory_space<vmem>>, vector<1x16xf32>,
        %get3A_282 = vector.shape_cast %get3A_281 : vector<1x16xf32> to vector<16xf32>
        %add3A_283 = arith.addf %add3A_259, %get3A_282 : vector<16xf32>
        %get3A_284 = arith.index_cast %add3A_273 : i32 to index
        %get3A_285 = arith.constant 32 : index
        %get3A_286 = tpu.vector_load %arg8[%get3A_284, %get3A_285] {strides = array<i32>} : memref<128x64xf32, #tpu.memory_space<vmem>>, vector<1x16xf32>,
        %get3A_287 = vector.shape_cast %get3A_286 : vector<1x16xf32> to vector<16xf32>
        %add3A_288 = arith.addf %add3A_264, %get3A_287 : vector<16xf32>
        %get3A_289 = arith.index_cast %add3A_273 : i32 to index
        %get3A_290 = arith.constant 48 : index
        %get3A_291 = tpu.vector_load %arg8[%get3A_289, %get3A_290] {strides = array<i32>} : memref<128x64xf32, #tpu.memory_space<vmem>>, vector<1x16xf32>,
        %get3A_292 = vector.shape_cast %get3A_291 : vector<1x16xf32> to vector<16xf32>
        %add3A_293 = arith.addf %add3A_269, %get3A_292 : vector<16xf32>
        %mul3A_294 = arith.constant 8 : i32
        %mul3A_295 = arith.muli %scan3A_194, %mul3A_294 : i32
        %add3A_296 = arith.constant 4 : i32
        %add3A_297 = arith.addi %mul3A_295, %add3A_296 : i32
        %get3A_298 = arith.index_cast %add3A_297 : i32 to index
        %get3A_299 = arith.constant 0 : index
        %get3A_300 = tpu.vector_load %arg8[%get3A_298, %get3A_299] {strides = array<i32>} : memref<128x64xf32, #tpu.memory_space<vmem>>, vector<1x16xf32>,
        %get3A_301 = vector.shape_cast %get3A_300 : vector<1x16xf32> to vector<16xf32>
        %add3A_302 = arith.addf %add3A_278, %get3A_301 : vector<16xf32>
        %get3A_303 = arith.index_cast %add3A_297 : i32 to index
        %get3A_304 = arith.constant 16 : index
        %get3A_305 = tpu.vector_load %arg8[%get3A_303, %get3A_304] {strides = array<i32>} : memref<128x64xf32, #tpu.memory_space<vmem>>, vector<1x16xf32>,
        %get3A_306 = vector.shape_cast %get3A_305 : vector<1x16xf32> to vector<16xf32>
        %add3A_307 = arith.addf %add3A_283, %get3A_306 : vector<16xf32>
        %get3A_308 = arith.index_cast %add3A_297 : i32 to index
        %get3A_309 = arith.constant 32 : index
        %get3A_310 = tpu.vector_load %arg8[%get3A_308, %get3A_309] {strides = array<i32>} : memref<128x64xf32, #tpu.memory_space<vmem>>, vector<1x16xf32>,
        %get3A_311 = vector.shape_cast %get3A_310 : vector<1x16xf32> to vector<16xf32>
        %add3A_312 = arith.addf %add3A_288, %get3A_311 : vector<16xf32>
        %get3A_313 = arith.index_cast %add3A_297 : i32 to index
        %get3A_314 = arith.constant 48 : index
        %get3A_315 = tpu.vector_load %arg8[%get3A_313, %get3A_314] {strides = array<i32>} : memref<128x64xf32, #tpu.memory_space<vmem>>, vector<1x16xf32>,
        %get3A_316 = vector.shape_cast %get3A_315 : vector<1x16xf32> to vector<16xf32>
        %add3A_317 = arith.addf %add3A_293, %get3A_316 : vector<16xf32>
        %mul3A_318 = arith.constant 8 : i32
        %mul3A_319 = arith.muli %scan3A_194, %mul3A_318 : i32
        %add3A_320 = arith.constant 5 : i32
        %add3A_321 = arith.addi %mul3A_319, %add3A_320 : i32
        %get3A_322 = arith.index_cast %add3A_321 : i32 to index
        %get3A_323 = arith.constant 0 : index
        %get3A_324 = tpu.vector_load %arg8[%get3A_322, %get3A_323] {strides = array<i32>} : memref<128x64xf32, #tpu.memory_space<vmem>>, vector<1x16xf32>,
        %get3A_325 = vector.shape_cast %get3A_324 : vector<1x16xf32> to vector<16xf32>
        %add3A_326 = arith.addf %add3A_302, %get3A_325 : vector<16xf32>
        %get3A_327 = arith.index_cast %add3A_321 : i32 to index
        %get3A_328 = arith.constant 16 : index
        %get3A_329 = tpu.vector_load %arg8[%get3A_327, %get3A_328] {strides = array<i32>} : memref<128x64xf32, #tpu.memory_space<vmem>>, vector<1x16xf32>,
        %get3A_330 = vector.shape_cast %get3A_329 : vector<1x16xf32> to vector<16xf32>
        %add3A_331 = arith.addf %add3A_307, %get3A_330 : vector<16xf32>
        %get3A_332 = arith.index_cast %add3A_321 : i32 to index
        %get3A_333 = arith.constant 32 : index
        %get3A_334 = tpu.vector_load %arg8[%get3A_332, %get3A_333] {strides = array<i32>} : memref<128x64xf32, #tpu.memory_space<vmem>>, vector<1x16xf32>,
        %get3A_335 = vector.shape_cast %get3A_334 : vector<1x16xf32> to vector<16xf32>
        %add3A_336 = arith.addf %add3A_312, %get3A_335 : vector<16xf32>
        %get3A_337 = arith.index_cast %add3A_321 : i32 to index
        %get3A_338 = arith.constant 48 : index
        %get3A_339 = tpu.vector_load %arg8[%get3A_337, %get3A_338] {strides = array<i32>} : memref<128x64xf32, #tpu.memory_space<vmem>>, vector<1x16xf32>,
        %get3A_340 = vector.shape_cast %get3A_339 : vector<1x16xf32> to vector<16xf32>
        %add3A_341 = arith.addf %add3A_317, %get3A_340 : vector<16xf32>
        %mul3A_342 = arith.constant 8 : i32
        %mul3A_343 = arith.muli %scan3A_194, %mul3A_342 : i32
        %add3A_344 = arith.constant 6 : i32
        %add3A_345 = arith.addi %mul3A_343, %add3A_344 : i32
        %get3A_346 = arith.index_cast %add3A_345 : i32 to index
        %get3A_347 = arith.constant 0 : index
        %get3A_348 = tpu.vector_load %arg8[%get3A_346, %get3A_347] {strides = array<i32>} : memref<128x64xf32, #tpu.memory_space<vmem>>, vector<1x16xf32>,
        %get3A_349 = vector.shape_cast %get3A_348 : vector<1x16xf32> to vector<16xf32>
        %add3A_350 = arith.addf %add3A_326, %get3A_349 : vector<16xf32>
        %get3A_351 = arith.index_cast %add3A_345 : i32 to index
        %get3A_352 = arith.constant 16 : index
        %get3A_353 = tpu.vector_load %arg8[%get3A_351, %get3A_352] {strides = array<i32>} : memref<128x64xf32, #tpu.memory_space<vmem>>, vector<1x16xf32>,
        %get3A_354 = vector.shape_cast %get3A_353 : vector<1x16xf32> to vector<16xf32>
        %add3A_355 = arith.addf %add3A_331, %get3A_354 : vector<16xf32>
        %get3A_356 = arith.index_cast %add3A_345 : i32 to index
        %get3A_357 = arith.constant 32 : index
        %get3A_358 = tpu.vector_load %arg8[%get3A_356, %get3A_357] {strides = array<i32>} : memref<128x64xf32, #tpu.memory_space<vmem>>, vector<1x16xf32>,
        %get3A_359 = vector.shape_cast %get3A_358 : vector<1x16xf32> to vector<16xf32>
        %add3A_360 = arith.addf %add3A_336, %get3A_359 : vector<16xf32>
        %get3A_361 = arith.index_cast %add3A_345 : i32 to index
        %get3A_362 = arith.constant 48 : index
        %get3A_363 = tpu.vector_load %arg8[%get3A_361, %get3A_362] {strides = array<i32>} : memref<128x64xf32, #tpu.memory_space<vmem>>, vector<1x16xf32>,
        %get3A_364 = vector.shape_cast %get3A_363 : vector<1x16xf32> to vector<16xf32>
        %add3A_365 = arith.addf %add3A_341, %get3A_364 : vector<16xf32>
        %mul3A_366 = arith.constant 8 : i32
        %mul3A_367 = arith.muli %scan3A_194, %mul3A_366 : i32
        %add3A_368 = arith.constant 7 : i32
        %add3A_369 = arith.addi %mul3A_367, %add3A_368 : i32
        %get3A_370 = arith.index_cast %add3A_369 : i32 to index
        %get3A_371 = arith.constant 0 : index
        %get3A_372 = tpu.vector_load %arg8[%get3A_370, %get3A_371] {strides = array<i32>} : memref<128x64xf32, #tpu.memory_space<vmem>>, vector<1x16xf32>,
        %get3A_373 = vector.shape_cast %get3A_372 : vector<1x16xf32> to vector<16xf32>
        %add3A_374 = arith.addf %add3A_350, %get3A_373 : vector<16xf32>
        %get3A_375 = arith.index_cast %add3A_369 : i32 to index
        %get3A_376 = arith.constant 16 : index
        %get3A_377 = tpu.vector_load %arg8[%get3A_375, %get3A_376] {strides = array<i32>} : memref<128x64xf32, #tpu.memory_space<vmem>>, vector<1x16xf32>,
        %get3A_378 = vector.shape_cast %get3A_377 : vector<1x16xf32> to vector<16xf32>
        %add3A_379 = arith.addf %add3A_355, %get3A_378 : vector<16xf32>
        %get3A_380 = arith.index_cast %add3A_369 : i32 to index
        %get3A_381 = arith.constant 32 : index
        %get3A_382 = tpu.vector_load %arg8[%get3A_380, %get3A_381] {strides = array<i32>} : memref<128x64xf32, #tpu.memory_space<vmem>>, vector<1x16xf32>,
        %get3A_383 = vector.shape_cast %get3A_382 : vector<1x16xf32> to vector<16xf32>
        %add3A_384 = arith.addf %add3A_360, %get3A_383 : vector<16xf32>
        %get3A_385 = arith.index_cast %add3A_369 : i32 to index
        %get3A_386 = arith.constant 48 : index
        %get3A_387 = tpu.vector_load %arg8[%get3A_385, %get3A_386] {strides = array<i32>} : memref<128x64xf32, #tpu.memory_space<vmem>>, vector<1x16xf32>,
        %get3A_388 = vector.shape_cast %get3A_387 : vector<1x16xf32> to vector<16xf32>
        %add3A_389 = arith.addf %add3A_365, %get3A_388 : vector<16xf32>
        scf.yield %add3A_374, %add3A_379, %add3A_384, %add3A_389 : vector<16xf32>, vector<16xf32>, vector<16xf32>, vector<16xf32>
      }
      %scan3A_137 = arith.constant 16 : i32
      %convert_element_type3A_138 = arith.extui %lt3A_61 : i1 to i32
      %cond3A_139 = arith.constant 0 : i32
      %cond3A_140 = arith.cmpi ne, %convert_element_type3A_138, %cond3A_139 : i32
      scf.if %cond3A_140 {
        %add3A_194 = arith.constant 3 : i32
        %add3A_195 = arith.addi %mul3A_60, %add3A_194 : i32
        %dma_start3A_196 = arith.constant 0 : i32
        %dma_start3A_197 = tpu.memref_slice %arg5[%add3A_195, %dma_start3A_196] : memref<128x200xi32, #tpu.memory_space<vmem>> -> memref<1x128xi32, #tpu.memory_space<vmem>>
        %dma_start3A_198 = tpu.memref_squeeze %dma_start3A_197 : memref<1x128xi32, #tpu.memory_space<vmem>> -> memref<128xi32, #tpu.memory_space<vmem>>
        %dma_start3A_199 = arith.constant 0 : i32
        %dma_start3A_200 = arith.constant 0 : i32
        %dma_start3A_201 = tpu.memref_slice %arg3[%dma_start3A_199, %dma_start3A_200] : memref<1000000x64xf32, #tpu.memory_space<hbm>> -> memref<1000000x64xf32, #tpu.memory_space<hbm>>
        tpu.enqueue_indirect_dma source(%dma_start3A_201 : memref<1000000x64xf32, #tpu.memory_space<hbm>>) target(%arg8 : memref<128x64xf32, #tpu.memory_space<vmem>>) offsets(%dma_start3A_198 : memref<128xi32, #tpu.memory_space<vmem>>) semaphore(%arg13 : memref<!tpu.dma_semaphore, #tpu.memory_space<semaphore_mem>>)
      } else {
      }
      %dma_wait3A_141 = arith.constant 0 : i32
      %dma_wait3A_142 = arith.constant 0 : i32
      %dma_wait3A_143 = arith.constant 0 : i32
      %dma_wait3A_144 = tpu.memref_slice %arg9[%dma_wait3A_142, %dma_wait3A_143] : memref<80x64xf32, #tpu.memory_space<vmem>> -> memref<72x64xf32, #tpu.memory_space<vmem>>
      %dma_wait3A_145 = arith.constant 128 : i32
      %dma_wait3A_146 = tpu.memref_slice %arg5[%dma_wait3A_141, %dma_wait3A_145] : memref<128x200xi32, #tpu.memory_space<vmem>> -> memref<1x72xi32, #tpu.memory_space<vmem>>
      %dma_wait3A_147 = tpu.memref_squeeze %dma_wait3A_146 : memref<1x72xi32, #tpu.memory_space<vmem>> -> memref<72xi32, #tpu.memory_space<vmem>>
      %dma_wait3A_148 = arith.constant 0 : i32
      %dma_wait3A_149 = arith.constant 0 : i32
      %dma_wait3A_150 = tpu.memref_slice %arg3[%dma_wait3A_148, %dma_wait3A_149] : memref<1000000x64xf32, #tpu.memory_space<hbm>> -> memref<1000000x64xf32, #tpu.memory_space<hbm>>
      tpu.wait_indirect_dma semaphore(%arg14 : memref<!tpu.dma_semaphore, #tpu.memory_space<semaphore_mem>>) src(%dma_wait3A_150 : memref<1000000x64xf32, #tpu.memory_space<hbm>>) dst(%dma_wait3A_144 : memref<72x64xf32, #tpu.memory_space<vmem>>)
      %scan3A_151 = arith.constant 0 : i32
      %scan3A_152 = arith.constant 10 : i32
      %scan3A_153 = arith.addi %scan3A_151, %scan3A_152 : i32
      %scan3A_154 = arith.constant 1 : i32
      %scan3A_155:4 = scf.for %scan3A_194 = %scan3A_151 to %scan3A_153 step %scan3A_154 iter_args(%scan3A_195 = %scan3A_136#0, %scan3A_196 = %scan3A_136#1, %scan3A_197 = %scan3A_136#2, %scan3A_198 = %scan3A_136#3) -> (vector<16xf32>, vector<16xf32>, vector<16xf32>, vector<16xf32>)  : i32 {
        %mul3A_199 = arith.constant 8 : i32
        %mul3A_200 = arith.muli %scan3A_194, %mul3A_199 : i32
        %add3A_201 = arith.constant 0 : i32
        %add3A_202 = arith.addi %mul3A_200, %add3A_201 : i32
        %get3A = arith.index_cast %add3A_202 : i32 to index
        %get3A_203 = arith.constant 0 : index
        %get3A_204 = tpu.vector_load %arg9[%get3A, %get3A_203] {strides = array<i32>} : memref<80x64xf32, #tpu.memory_space<vmem>>, vector<1x16xf32>,
        %get3A_205 = vector.shape_cast %get3A_204 : vector<1x16xf32> to vector<16xf32>
        %add3A_206 = arith.addf %scan3A_195, %get3A_205 : vector<16xf32>
        %get3A_207 = arith.index_cast %add3A_202 : i32 to index
        %get3A_208 = arith.constant 16 : index
        %get3A_209 = tpu.vector_load %arg9[%get3A_207, %get3A_208] {strides = array<i32>} : memref<80x64xf32, #tpu.memory_space<vmem>>, vector<1x16xf32>,
        %get3A_210 = vector.shape_cast %get3A_209 : vector<1x16xf32> to vector<16xf32>
        %add3A_211 = arith.addf %scan3A_196, %get3A_210 : vector<16xf32>
        %get3A_212 = arith.index_cast %add3A_202 : i32 to index
        %get3A_213 = arith.constant 32 : index
        %get3A_214 = tpu.vector_load %arg9[%get3A_212, %get3A_213] {strides = array<i32>} : memref<80x64xf32, #tpu.memory_space<vmem>>, vector<1x16xf32>,
        %get3A_215 = vector.shape_cast %get3A_214 : vector<1x16xf32> to vector<16xf32>
        %add3A_216 = arith.addf %scan3A_197, %get3A_215 : vector<16xf32>
        %get3A_217 = arith.index_cast %add3A_202 : i32 to index
        %get3A_218 = arith.constant 48 : index
        %get3A_219 = tpu.vector_load %arg9[%get3A_217, %get3A_218] {strides = array<i32>} : memref<80x64xf32, #tpu.memory_space<vmem>>, vector<1x16xf32>,
        %get3A_220 = vector.shape_cast %get3A_219 : vector<1x16xf32> to vector<16xf32>
        %add3A_221 = arith.addf %scan3A_198, %get3A_220 : vector<16xf32>
        %mul3A_222 = arith.constant 8 : i32
        %mul3A_223 = arith.muli %scan3A_194, %mul3A_222 : i32
        %add3A_224 = arith.constant 1 : i32
        %add3A_225 = arith.addi %mul3A_223, %add3A_224 : i32
        %get3A_226 = arith.index_cast %add3A_225 : i32 to index
        %get3A_227 = arith.constant 0 : index
        %get3A_228 = tpu.vector_load %arg9[%get3A_226, %get3A_227] {strides = array<i32>} : memref<80x64xf32, #tpu.memory_space<vmem>>, vector<1x16xf32>,
        %get3A_229 = vector.shape_cast %get3A_228 : vector<1x16xf32> to vector<16xf32>
        %add3A_230 = arith.addf %add3A_206, %get3A_229 : vector<16xf32>
        %get3A_231 = arith.index_cast %add3A_225 : i32 to index
        %get3A_232 = arith.constant 16 : index
        %get3A_233 = tpu.vector_load %arg9[%get3A_231, %get3A_232] {strides = array<i32>} : memref<80x64xf32, #tpu.memory_space<vmem>>, vector<1x16xf32>,
        %get3A_234 = vector.shape_cast %get3A_233 : vector<1x16xf32> to vector<16xf32>
        %add3A_235 = arith.addf %add3A_211, %get3A_234 : vector<16xf32>
        %get3A_236 = arith.index_cast %add3A_225 : i32 to index
        %get3A_237 = arith.constant 32 : index
        %get3A_238 = tpu.vector_load %arg9[%get3A_236, %get3A_237] {strides = array<i32>} : memref<80x64xf32, #tpu.memory_space<vmem>>, vector<1x16xf32>,
        %get3A_239 = vector.shape_cast %get3A_238 : vector<1x16xf32> to vector<16xf32>
        %add3A_240 = arith.addf %add3A_216, %get3A_239 : vector<16xf32>
        %get3A_241 = arith.index_cast %add3A_225 : i32 to index
        %get3A_242 = arith.constant 48 : index
        %get3A_243 = tpu.vector_load %arg9[%get3A_241, %get3A_242] {strides = array<i32>} : memref<80x64xf32, #tpu.memory_space<vmem>>, vector<1x16xf32>,
        %get3A_244 = vector.shape_cast %get3A_243 : vector<1x16xf32> to vector<16xf32>
        %add3A_245 = arith.addf %add3A_221, %get3A_244 : vector<16xf32>
        %mul3A_246 = arith.constant 8 : i32
        %mul3A_247 = arith.muli %scan3A_194, %mul3A_246 : i32
        %add3A_248 = arith.constant 2 : i32
        %add3A_249 = arith.addi %mul3A_247, %add3A_248 : i32
        %get3A_250 = arith.index_cast %add3A_249 : i32 to index
        %get3A_251 = arith.constant 0 : index
        %get3A_252 = tpu.vector_load %arg9[%get3A_250, %get3A_251] {strides = array<i32>} : memref<80x64xf32, #tpu.memory_space<vmem>>, vector<1x16xf32>,
        %get3A_253 = vector.shape_cast %get3A_252 : vector<1x16xf32> to vector<16xf32>
        %add3A_254 = arith.addf %add3A_230, %get3A_253 : vector<16xf32>
        %get3A_255 = arith.index_cast %add3A_249 : i32 to index
        %get3A_256 = arith.constant 16 : index
        %get3A_257 = tpu.vector_load %arg9[%get3A_255, %get3A_256] {strides = array<i32>} : memref<80x64xf32, #tpu.memory_space<vmem>>, vector<1x16xf32>,
        %get3A_258 = vector.shape_cast %get3A_257 : vector<1x16xf32> to vector<16xf32>
        %add3A_259 = arith.addf %add3A_235, %get3A_258 : vector<16xf32>
        %get3A_260 = arith.index_cast %add3A_249 : i32 to index
        %get3A_261 = arith.constant 32 : index
        %get3A_262 = tpu.vector_load %arg9[%get3A_260, %get3A_261] {strides = array<i32>} : memref<80x64xf32, #tpu.memory_space<vmem>>, vector<1x16xf32>,
        %get3A_263 = vector.shape_cast %get3A_262 : vector<1x16xf32> to vector<16xf32>
        %add3A_264 = arith.addf %add3A_240, %get3A_263 : vector<16xf32>
        %get3A_265 = arith.index_cast %add3A_249 : i32 to index
        %get3A_266 = arith.constant 48 : index
        %get3A_267 = tpu.vector_load %arg9[%get3A_265, %get3A_266] {strides = array<i32>} : memref<80x64xf32, #tpu.memory_space<vmem>>, vector<1x16xf32>,
        %get3A_268 = vector.shape_cast %get3A_267 : vector<1x16xf32> to vector<16xf32>
        %add3A_269 = arith.addf %add3A_245, %get3A_268 : vector<16xf32>
        %mul3A_270 = arith.constant 8 : i32
        %mul3A_271 = arith.muli %scan3A_194, %mul3A_270 : i32
        %add3A_272 = arith.constant 3 : i32
        %add3A_273 = arith.addi %mul3A_271, %add3A_272 : i32
        %get3A_274 = arith.index_cast %add3A_273 : i32 to index
        %get3A_275 = arith.constant 0 : index
        %get3A_276 = tpu.vector_load %arg9[%get3A_274, %get3A_275] {strides = array<i32>} : memref<80x64xf32, #tpu.memory_space<vmem>>, vector<1x16xf32>,
        %get3A_277 = vector.shape_cast %get3A_276 : vector<1x16xf32> to vector<16xf32>
        %add3A_278 = arith.addf %add3A_254, %get3A_277 : vector<16xf32>
        %get3A_279 = arith.index_cast %add3A_273 : i32 to index
        %get3A_280 = arith.constant 16 : index
        %get3A_281 = tpu.vector_load %arg9[%get3A_279, %get3A_280] {strides = array<i32>} : memref<80x64xf32, #tpu.memory_space<vmem>>, vector<1x16xf32>,
        %get3A_282 = vector.shape_cast %get3A_281 : vector<1x16xf32> to vector<16xf32>
        %add3A_283 = arith.addf %add3A_259, %get3A_282 : vector<16xf32>
        %get3A_284 = arith.index_cast %add3A_273 : i32 to index
        %get3A_285 = arith.constant 32 : index
        %get3A_286 = tpu.vector_load %arg9[%get3A_284, %get3A_285] {strides = array<i32>} : memref<80x64xf32, #tpu.memory_space<vmem>>, vector<1x16xf32>,
        %get3A_287 = vector.shape_cast %get3A_286 : vector<1x16xf32> to vector<16xf32>
        %add3A_288 = arith.addf %add3A_264, %get3A_287 : vector<16xf32>
        %get3A_289 = arith.index_cast %add3A_273 : i32 to index
        %get3A_290 = arith.constant 48 : index
        %get3A_291 = tpu.vector_load %arg9[%get3A_289, %get3A_290] {strides = array<i32>} : memref<80x64xf32, #tpu.memory_space<vmem>>, vector<1x16xf32>,
        %get3A_292 = vector.shape_cast %get3A_291 : vector<1x16xf32> to vector<16xf32>
        %add3A_293 = arith.addf %add3A_269, %get3A_292 : vector<16xf32>
        %mul3A_294 = arith.constant 8 : i32
        %mul3A_295 = arith.muli %scan3A_194, %mul3A_294 : i32
        %add3A_296 = arith.constant 4 : i32
        %add3A_297 = arith.addi %mul3A_295, %add3A_296 : i32
        %get3A_298 = arith.index_cast %add3A_297 : i32 to index
        %get3A_299 = arith.constant 0 : index
        %get3A_300 = tpu.vector_load %arg9[%get3A_298, %get3A_299] {strides = array<i32>} : memref<80x64xf32, #tpu.memory_space<vmem>>, vector<1x16xf32>,
        %get3A_301 = vector.shape_cast %get3A_300 : vector<1x16xf32> to vector<16xf32>
        %add3A_302 = arith.addf %add3A_278, %get3A_301 : vector<16xf32>
        %get3A_303 = arith.index_cast %add3A_297 : i32 to index
        %get3A_304 = arith.constant 16 : index
        %get3A_305 = tpu.vector_load %arg9[%get3A_303, %get3A_304] {strides = array<i32>} : memref<80x64xf32, #tpu.memory_space<vmem>>, vector<1x16xf32>,
        %get3A_306 = vector.shape_cast %get3A_305 : vector<1x16xf32> to vector<16xf32>
        %add3A_307 = arith.addf %add3A_283, %get3A_306 : vector<16xf32>
        %get3A_308 = arith.index_cast %add3A_297 : i32 to index
        %get3A_309 = arith.constant 32 : index
        %get3A_310 = tpu.vector_load %arg9[%get3A_308, %get3A_309] {strides = array<i32>} : memref<80x64xf32, #tpu.memory_space<vmem>>, vector<1x16xf32>,
        %get3A_311 = vector.shape_cast %get3A_310 : vector<1x16xf32> to vector<16xf32>
        %add3A_312 = arith.addf %add3A_288, %get3A_311 : vector<16xf32>
        %get3A_313 = arith.index_cast %add3A_297 : i32 to index
        %get3A_314 = arith.constant 48 : index
        %get3A_315 = tpu.vector_load %arg9[%get3A_313, %get3A_314] {strides = array<i32>} : memref<80x64xf32, #tpu.memory_space<vmem>>, vector<1x16xf32>,
        %get3A_316 = vector.shape_cast %get3A_315 : vector<1x16xf32> to vector<16xf32>
        %add3A_317 = arith.addf %add3A_293, %get3A_316 : vector<16xf32>
        %mul3A_318 = arith.constant 8 : i32
        %mul3A_319 = arith.muli %scan3A_194, %mul3A_318 : i32
        %add3A_320 = arith.constant 5 : i32
        %add3A_321 = arith.addi %mul3A_319, %add3A_320 : i32
        %get3A_322 = arith.index_cast %add3A_321 : i32 to index
        %get3A_323 = arith.constant 0 : index
        %get3A_324 = tpu.vector_load %arg9[%get3A_322, %get3A_323] {strides = array<i32>} : memref<80x64xf32, #tpu.memory_space<vmem>>, vector<1x16xf32>,
        %get3A_325 = vector.shape_cast %get3A_324 : vector<1x16xf32> to vector<16xf32>
        %add3A_326 = arith.addf %add3A_302, %get3A_325 : vector<16xf32>
        %get3A_327 = arith.index_cast %add3A_321 : i32 to index
        %get3A_328 = arith.constant 16 : index
        %get3A_329 = tpu.vector_load %arg9[%get3A_327, %get3A_328] {strides = array<i32>} : memref<80x64xf32, #tpu.memory_space<vmem>>, vector<1x16xf32>,
        %get3A_330 = vector.shape_cast %get3A_329 : vector<1x16xf32> to vector<16xf32>
        %add3A_331 = arith.addf %add3A_307, %get3A_330 : vector<16xf32>
        %get3A_332 = arith.index_cast %add3A_321 : i32 to index
        %get3A_333 = arith.constant 32 : index
        %get3A_334 = tpu.vector_load %arg9[%get3A_332, %get3A_333] {strides = array<i32>} : memref<80x64xf32, #tpu.memory_space<vmem>>, vector<1x16xf32>,
        %get3A_335 = vector.shape_cast %get3A_334 : vector<1x16xf32> to vector<16xf32>
        %add3A_336 = arith.addf %add3A_312, %get3A_335 : vector<16xf32>
        %get3A_337 = arith.index_cast %add3A_321 : i32 to index
        %get3A_338 = arith.constant 48 : index
        %get3A_339 = tpu.vector_load %arg9[%get3A_337, %get3A_338] {strides = array<i32>} : memref<80x64xf32, #tpu.memory_space<vmem>>, vector<1x16xf32>,
        %get3A_340 = vector.shape_cast %get3A_339 : vector<1x16xf32> to vector<16xf32>
        %add3A_341 = arith.addf %add3A_317, %get3A_340 : vector<16xf32>
        %mul3A_342 = arith.constant 8 : i32
        %mul3A_343 = arith.muli %scan3A_194, %mul3A_342 : i32
        %add3A_344 = arith.constant 6 : i32
        %add3A_345 = arith.addi %mul3A_343, %add3A_344 : i32
        %get3A_346 = arith.index_cast %add3A_345 : i32 to index
        %get3A_347 = arith.constant 0 : index
        %get3A_348 = tpu.vector_load %arg9[%get3A_346, %get3A_347] {strides = array<i32>} : memref<80x64xf32, #tpu.memory_space<vmem>>, vector<1x16xf32>,
        %get3A_349 = vector.shape_cast %get3A_348 : vector<1x16xf32> to vector<16xf32>
        %add3A_350 = arith.addf %add3A_326, %get3A_349 : vector<16xf32>
        %get3A_351 = arith.index_cast %add3A_345 : i32 to index
        %get3A_352 = arith.constant 16 : index
        %get3A_353 = tpu.vector_load %arg9[%get3A_351, %get3A_352] {strides = array<i32>} : memref<80x64xf32, #tpu.memory_space<vmem>>, vector<1x16xf32>,
        %get3A_354 = vector.shape_cast %get3A_353 : vector<1x16xf32> to vector<16xf32>
        %add3A_355 = arith.addf %add3A_331, %get3A_354 : vector<16xf32>
        %get3A_356 = arith.index_cast %add3A_345 : i32 to index
        %get3A_357 = arith.constant 32 : index
        %get3A_358 = tpu.vector_load %arg9[%get3A_356, %get3A_357] {strides = array<i32>} : memref<80x64xf32, #tpu.memory_space<vmem>>, vector<1x16xf32>,
        %get3A_359 = vector.shape_cast %get3A_358 : vector<1x16xf32> to vector<16xf32>
        %add3A_360 = arith.addf %add3A_336, %get3A_359 : vector<16xf32>
        %get3A_361 = arith.index_cast %add3A_345 : i32 to index
        %get3A_362 = arith.constant 48 : index
        %get3A_363 = tpu.vector_load %arg9[%get3A_361, %get3A_362] {strides = array<i32>} : memref<80x64xf32, #tpu.memory_space<vmem>>, vector<1x16xf32>,
        %get3A_364 = vector.shape_cast %get3A_363 : vector<1x16xf32> to vector<16xf32>
        %add3A_365 = arith.addf %add3A_341, %get3A_364 : vector<16xf32>
        %mul3A_366 = arith.constant 8 : i32
        %mul3A_367 = arith.muli %scan3A_194, %mul3A_366 : i32
        %add3A_368 = arith.constant 7 : i32
        %add3A_369 = arith.addi %mul3A_367, %add3A_368 : i32
        %get3A_370 = arith.index_cast %add3A_369 : i32 to index
        %get3A_371 = arith.constant 0 : index
        %get3A_372 = tpu.vector_load %arg9[%get3A_370, %get3A_371] {strides = array<i32>} : memref<80x64xf32, #tpu.memory_space<vmem>>, vector<1x16xf32>,
        %get3A_373 = vector.shape_cast %get3A_372 : vector<1x16xf32> to vector<16xf32>
        %add3A_374 = arith.addf %add3A_350, %get3A_373 : vector<16xf32>
        %get3A_375 = arith.index_cast %add3A_369 : i32 to index
        %get3A_376 = arith.constant 16 : index
        %get3A_377 = tpu.vector_load %arg9[%get3A_375, %get3A_376] {strides = array<i32>} : memref<80x64xf32, #tpu.memory_space<vmem>>, vector<1x16xf32>,
        %get3A_378 = vector.shape_cast %get3A_377 : vector<1x16xf32> to vector<16xf32>
        %add3A_379 = arith.addf %add3A_355, %get3A_378 : vector<16xf32>
        %get3A_380 = arith.index_cast %add3A_369 : i32 to index
        %get3A_381 = arith.constant 32 : index
        %get3A_382 = tpu.vector_load %arg9[%get3A_380, %get3A_381] {strides = array<i32>} : memref<80x64xf32, #tpu.memory_space<vmem>>, vector<1x16xf32>,
        %get3A_383 = vector.shape_cast %get3A_382 : vector<1x16xf32> to vector<16xf32>
        %add3A_384 = arith.addf %add3A_360, %get3A_383 : vector<16xf32>
        %get3A_385 = arith.index_cast %add3A_369 : i32 to index
        %get3A_386 = arith.constant 48 : index
        %get3A_387 = tpu.vector_load %arg9[%get3A_385, %get3A_386] {strides = array<i32>} : memref<80x64xf32, #tpu.memory_space<vmem>>, vector<1x16xf32>,
        %get3A_388 = vector.shape_cast %get3A_387 : vector<1x16xf32> to vector<16xf32>
        %add3A_389 = arith.addf %add3A_365, %get3A_388 : vector<16xf32>
        scf.yield %add3A_374, %add3A_379, %add3A_384, %add3A_389 : vector<16xf32>, vector<16xf32>, vector<16xf32>, vector<16xf32>
      }
      %scan3A_156 = arith.constant 10 : i32
      %convert_element_type3A_157 = arith.extui %lt3A_61 : i1 to i32
      %cond3A_158 = arith.constant 0 : i32
      %cond3A_159 = arith.cmpi ne, %convert_element_type3A_157, %cond3A_158 : i32
      scf.if %cond3A_159 {
        %add3A_194 = arith.constant 3 : i32
        %add3A_195 = arith.addi %mul3A_60, %add3A_194 : i32
        %dma_start3A_196 = arith.constant 0 : i32
        %dma_start3A_197 = arith.constant 0 : i32
        %dma_start3A_198 = tpu.memref_slice %arg9[%dma_start3A_196, %dma_start3A_197] : memref<80x64xf32, #tpu.memory_space<vmem>> -> memref<72x64xf32, #tpu.memory_space<vmem>>
        %dma_start3A_199 = arith.constant 128 : i32
        %dma_start3A_200 = tpu.memref_slice %arg5[%add3A_195, %dma_start3A_199] : memref<128x200xi32, #tpu.memory_space<vmem>> -> memref<1x72xi32, #tpu.memory_space<vmem>>
        %dma_start3A_201 = tpu.memref_squeeze %dma_start3A_200 : memref<1x72xi32, #tpu.memory_space<vmem>> -> memref<72xi32, #tpu.memory_space<vmem>>
        %dma_start3A_202 = arith.constant 0 : i32
        %dma_start3A_203 = arith.constant 0 : i32
        %dma_start3A_204 = tpu.memref_slice %arg3[%dma_start3A_202, %dma_start3A_203] : memref<1000000x64xf32, #tpu.memory_space<hbm>> -> memref<1000000x64xf32, #tpu.memory_space<hbm>>
        tpu.enqueue_indirect_dma source(%dma_start3A_204 : memref<1000000x64xf32, #tpu.memory_space<hbm>>) target(%dma_start3A_198 : memref<72x64xf32, #tpu.memory_space<vmem>>) offsets(%dma_start3A_201 : memref<72xi32, #tpu.memory_space<vmem>>) semaphore(%arg14 : memref<!tpu.dma_semaphore, #tpu.memory_space<semaphore_mem>>)
      } else {
      }
      %add3A_160 = arith.constant 1 : i32
      %add3A_161 = arith.addi %mul3A_60, %add3A_160 : i32
      %mul3A_162 = arith.constant 5.000000e-03 : f32
      %mul3A_163 = vector.broadcast %mul3A_162 : f32 to vector<16xf32>
      %mul3A_164 = arith.mulf %scan3A_155#0, %mul3A_163 : vector<16xf32>
      %swap3A_165 = arith.index_cast %add3A_161 : i32 to index
      %swap3A_166 = arith.constant 0 : index
      %swap3A_167 = tpu.vector_load %arg10[%swap3A_165, %swap3A_166] {strides = array<i32>} : memref<128x64xf32, #tpu.memory_space<vmem>>, vector<1x16xf32>,
      %swap3A_168 = vector.shape_cast %swap3A_167 : vector<1x16xf32> to vector<16xf32>
      %swap3A_169 = vector.shape_cast %mul3A_164 : vector<16xf32> to vector<1x16xf32>
      tpu.vector_store %arg10[%swap3A_165, %swap3A_166], %swap3A_169 {strides = array<i32>} : memref<128x64xf32, #tpu.memory_space<vmem>>, vector<1x16xf32>,
      %mul3A_170 = arith.constant 5.000000e-03 : f32
      %mul3A_171 = vector.broadcast %mul3A_170 : f32 to vector<16xf32>
      %mul3A_172 = arith.mulf %scan3A_155#1, %mul3A_171 : vector<16xf32>
      %swap3A_173 = arith.index_cast %add3A_161 : i32 to index
      %swap3A_174 = arith.constant 16 : index
      %swap3A_175 = tpu.vector_load %arg10[%swap3A_173, %swap3A_174] {strides = array<i32>} : memref<128x64xf32, #tpu.memory_space<vmem>>, vector<1x16xf32>,
      %swap3A_176 = vector.shape_cast %swap3A_175 : vector<1x16xf32> to vector<16xf32>
      %swap3A_177 = vector.shape_cast %mul3A_172 : vector<16xf32> to vector<1x16xf32>
      tpu.vector_store %arg10[%swap3A_173, %swap3A_174], %swap3A_177 {strides = array<i32>} : memref<128x64xf32, #tpu.memory_space<vmem>>, vector<1x16xf32>,
      %mul3A_178 = arith.constant 5.000000e-03 : f32
      %mul3A_179 = vector.broadcast %mul3A_178 : f32 to vector<16xf32>
      %mul3A_180 = arith.mulf %scan3A_155#2, %mul3A_179 : vector<16xf32>
      %swap3A_181 = arith.index_cast %add3A_161 : i32 to index
      %swap3A_182 = arith.constant 32 : index
      %swap3A_183 = tpu.vector_load %arg10[%swap3A_181, %swap3A_182] {strides = array<i32>} : memref<128x64xf32, #tpu.memory_space<vmem>>, vector<1x16xf32>,
      %swap3A_184 = vector.shape_cast %swap3A_183 : vector<1x16xf32> to vector<16xf32>
      %swap3A_185 = vector.shape_cast %mul3A_180 : vector<16xf32> to vector<1x16xf32>
      tpu.vector_store %arg10[%swap3A_181, %swap3A_182], %swap3A_185 {strides = array<i32>} : memref<128x64xf32, #tpu.memory_space<vmem>>, vector<1x16xf32>,
      %mul3A_186 = arith.constant 5.000000e-03 : f32
      %mul3A_187 = vector.broadcast %mul3A_186 : f32 to vector<16xf32>
      %mul3A_188 = arith.mulf %scan3A_155#3, %mul3A_187 : vector<16xf32>
      %swap3A_189 = arith.index_cast %add3A_161 : i32 to index
      %swap3A_190 = arith.constant 48 : index
      %swap3A_191 = tpu.vector_load %arg10[%swap3A_189, %swap3A_190] {strides = array<i32>} : memref<128x64xf32, #tpu.memory_space<vmem>>, vector<1x16xf32>,
      %swap3A_192 = vector.shape_cast %swap3A_191 : vector<1x16xf32> to vector<16xf32>
      %swap3A_193 = vector.shape_cast %mul3A_188 : vector<16xf32> to vector<1x16xf32>
      tpu.vector_store %arg10[%swap3A_189, %swap3A_190], %swap3A_193 {strides = array<i32>} : memref<128x64xf32, #tpu.memory_space<vmem>>, vector<1x16xf32>,
    }
    %scan3A_57 = arith.constant 64 : i32
    "tpu.region"() ({
      %run_scoped3A = tpu.sem_alloc : memref<!tpu.dma_semaphore, #tpu.memory_space<semaphore_mem>>
      %dma_start3A_58 = arith.constant 0 : i32
      %dma_start3A_59 = tpu.memref_slice %arg4[%mul3A_2, %dma_start3A_58] : memref<4096x64xf32, #tpu.memory_space<hbm>> -> memref<128x64xf32, #tpu.memory_space<hbm>>
      %dma_start3A_60 = arith.constant 0 : i32
      %dma_start3A_61 = tpu.memref_slice %arg4[%mul3A_2, %dma_start3A_60] : memref<4096x64xf32, #tpu.memory_space<hbm>> -> memref<128x64xf32, #tpu.memory_space<hbm>>
      tpu.enqueue_dma source(%arg10 : memref<128x64xf32, #tpu.memory_space<vmem>>) target(%dma_start3A_61 : memref<128x64xf32, #tpu.memory_space<hbm>>) target_semaphore(%run_scoped3A : memref<!tpu.dma_semaphore, #tpu.memory_space<semaphore_mem>>)
      %dma_wait3A = arith.constant 0 : i32
      %dma_wait3A_62 = tpu.memref_slice %arg4[%mul3A_2, %dma_wait3A] : memref<4096x64xf32, #tpu.memory_space<hbm>> -> memref<128x64xf32, #tpu.memory_space<hbm>>
      %dma_wait3A_63 = arith.constant 0 : i32
      %dma_wait3A_64 = tpu.memref_slice %arg4[%mul3A_2, %dma_wait3A_63] : memref<4096x64xf32, #tpu.memory_space<hbm>> -> memref<128x64xf32, #tpu.memory_space<hbm>>
      tpu.wait_dma2 semaphore(%run_scoped3A : memref<!tpu.dma_semaphore, #tpu.memory_space<semaphore_mem>>) src(%arg10 : memref<128x64xf32, #tpu.memory_space<vmem>>) dst(%dma_wait3A_64 : memref<128x64xf32, #tpu.memory_space<hbm>>)
      tpu.yield
    }) : () -> ()
    return
  }
}

module attributes {stable_mosaic.version = 14 : i64} {
  func.func @_mlp_body(%arg0: memref<4096x64xf32, #tpu.memory_space<vmem>>, %arg1: memref<64x128xf32, #tpu.memory_space<vmem>>, %arg2: memref<1x128xf32, #tpu.memory_space<vmem>>, %arg3: memref<128x2xf32, #tpu.memory_space<vmem>>, %arg4: memref<1x2xf32, #tpu.memory_space<vmem>>, %arg5: memref<4096x2xf32, #tpu.memory_space<vmem>>) attributes {dimension_semantics = [], scalar_prefetch = 0 : i64, scratch_operands = 0 : i64, tpu.core_type = #tpu.core_type<tc>} {
    %get3A = arith.constant 0 : index
    %get3A_0 = arith.constant 0 : index
    %get3A_1 = vector.load %arg0[%get3A, %get3A_0] : memref<4096x64xf32, #tpu.memory_space<vmem>>, vector<4096x64xf32>
    %get3A_2 = arith.constant 0 : index
    %get3A_3 = arith.constant 0 : index
    %get3A_4 = vector.load %arg1[%get3A_2, %get3A_3] : memref<64x128xf32, #tpu.memory_space<vmem>>, vector<64x128xf32>
    %dot_general3A = arith.constant dense<0.000000e+00> : vector<4096x128xf32>
    %dot_general3A_5 = tpu.matmul %get3A_1, %get3A_4, %dot_general3A {dimension_numbers = #tpu.dot_dimension_numbers<[1], [0], [0], [1], [0, 0, 1, 1], [], []>, transpose_lhs_hint = false} : vector<4096x64xf32>, vector<64x128xf32>, vector<4096x128xf32> -> vector<4096x128xf32>
    %get3A_6 = arith.constant 0 : index
    %get3A_7 = arith.constant 0 : index
    %get3A_8 = vector.load %arg2[%get3A_6, %get3A_7] : memref<1x128xf32, #tpu.memory_space<vmem>>, vector<1x128xf32>
    %add3A = vector.broadcast %get3A_8 : vector<1x128xf32> to vector<4096x128xf32>
    %add3A_9 = arith.addf %dot_general3A_5, %add3A : vector<4096x128xf32>
    %max3A = arith.constant 0.000000e+00 : f32
    %max3A_10 = vector.broadcast %max3A : f32 to vector<4096x128xf32>
    %max3A_11 = arith.maximumf %add3A_9, %max3A_10 : vector<4096x128xf32>
    %get3A_12 = arith.constant 0 : index
    %get3A_13 = arith.constant 0 : index
    %get3A_14 = vector.load %arg3[%get3A_12, %get3A_13] : memref<128x2xf32, #tpu.memory_space<vmem>>, vector<128x2xf32>
    %dot_general3A_15 = arith.constant dense<0.000000e+00> : vector<4096x2xf32>
    %dot_general3A_16 = tpu.matmul %max3A_11, %get3A_14, %dot_general3A_15 {dimension_numbers = #tpu.dot_dimension_numbers<[1], [0], [0], [1], [0, 0, 1, 1], [], []>, transpose_lhs_hint = false} : vector<4096x128xf32>, vector<128x2xf32>, vector<4096x2xf32> -> vector<4096x2xf32>
    %get3A_17 = arith.constant 0 : index
    %get3A_18 = arith.constant 0 : index
    %get3A_19 = vector.load %arg4[%get3A_17, %get3A_18] : memref<1x2xf32, #tpu.memory_space<vmem>>, vector<1x2xf32>
    %add3A_20 = vector.broadcast %get3A_19 : vector<1x2xf32> to vector<4096x2xf32>
    %add3A_21 = arith.addf %dot_general3A_16, %add3A_20 : vector<4096x2xf32>
    %swap3A = arith.constant 0 : index
    %swap3A_22 = arith.constant 0 : index
    %swap3A_23 = vector.load %arg5[%swap3A, %swap3A_22] : memref<4096x2xf32, #tpu.memory_space<vmem>>, vector<4096x2xf32>
    tpu.vector_store %arg5[%swap3A, %swap3A_22], %add3A_21 {strides = array<i32>} : memref<4096x2xf32, #tpu.memory_space<vmem>>, vector<4096x2xf32>,
    return
  }
}

</mosaic_0001>

<sc_bundles>
// kernel: kernel.4.cloned.1.call-start
scs
__scs_entry_jumppad:
0x0: {  	(pc) =	sbr.rel $0x88, $3  }
0x1: {  	(tag) =	ssettag $0x0;
	lr =	simm.s32 $0x1  }
0x2: {  	[smem:$0x3F9B] =	sst lr;
	_ =	strace $0xD0000000  }
0x3: {  	_ = 	snop  }
0x4: {  	_ = 	snop  }
0x5: {  	_ = 	snop  }
0x6: {  	_ = 	snop  }
0x7: {  	_ = 	snop  }
__scs_overlays_trampoline_lowered:
0x8: {  	[smem:$0x3FAA] =	sst s0  }
0x9: {  	[smem:$0x3FAB] =	sst s1  }
0xa: {  	[smem:$0x3FAC] =	sst s2  }
0xb: {  	[smem:$0x3FAD] =	sst s3  }
0xc: {  	[smem:$0x3FAE] =	sst s4  }
0xd: {  	[smem:$0x3FAF] =	sst s5  }
0xe: {  	[smem:$0x3FB0] =	sst s6  }
0xf: {  	[smem:$0x3FB1] =	sst s7  }
0x10: {  	[smem:$0x3FB2] =	sst s8  }
0x11: {  	[smem:$0x3FB3] =	sst s9;
	s0 =	simm.s32 @!p0 $0x0  }
0x12: {  	s1 =	sld [smem:$0x3F99];
	s0 =	simm.s32 @p0 $0x1  }
0x13: {  	[smem:$0x3FB4] =	sst s0;
	s0 =	simm.s32 @!p1 $0x0  }
0x14: {  	s2 =	sld [smem:$0x3F98];
	s0 =	simm.s32 @p1 $0x1  }
0x15: {  	[smem:$0x3FB5] =	sst s0;
	s0 =	simm.s32 @!p2 $0x0  }
0x16: {  	s3 =	sld [smem:$0x3FDB];
	s0 =	simm.s32 @p2 $0x1  }
0x17: {  	s4 =	simm.s32 $0x1BF5;
	[smem:$0x3FB7] =	sst s0  }
0x18: {  	s0 =	sld [smem:$0x3F9A];
	_ =	swait.ge [sflag:s4], $0x0  }
0x19: {  	s7 =	sld [smem:$0x3F9B]  }
0x1a: {  	s8 =	sadd.s32 $0xFFFFE003, lr  }
0x1b: {  	s9 =	sadd.s32 $0xFFFFFEF7, lr;
	s5 =	simm.s32 $0xFFFFFFFF;
	p2 =	slt.u32 s8, $0xFFFFF086  }
0x1c: {  	p1 =	slt.u32 s9, $0xF7A;
	s5 =	simm.s32 @!p2 $0x0  }
0x1d: {  	s5 =	simm.s32 @p1 $0x1;
	p0 =	seq.s32 s7, s2  }
0x1e: {  	s7 =	smul.u32 @!p0 $0xF7A, s2;
	p2 =	seq.s32 @!p0 s5, $0x0  }
0x1f: {  	s9 =	smul.u32 $0xF7A, s1;
	s8 =	simm.s32 @!p0 $0x1BF5;
	p2 =	por !p2, p0  }
0x20: {  	[sflag:s8] =	ssyncset.s32 @!p0 $0xFFFFF086;
	s6 =	sadd.s32 @!p0 s3, s7;
	s7 =	simm.s32 @!p0 $0x108  }
0x21: {  	s3 =	sadd.s32 s3, s9;
	s6 =	sadd.s32 @!p0 $0x88, s6;
	s7 =	simm.s32 @p2 $0x1082  }
0x22: {  	[simem:s7], [sflag:s8] =	dma.local @!p0 [hbm:s6], $0xF7A  }
0x23: {  	s9 =	sor.u32 $0xD0000000, s2;
	s6 =	simm.s32 $0x108;
	_ =	swait.ge @!p0 [sflag:s8], $0x0  }
0x24: {  	s3 =	sadd.s32 $0x88, s3;
	s6 =	simm.s32 @!p1 $0x1082;
	[sflag:s4] =	ssyncset.s32 $0xFFFFF086  }
0x25: {  	[simem:s6], [sflag:s4] =	dma.local [hbm:s3], $0xF7A  }
0x26: {  	[smem:$0x3F9B] =	sst s1;
	(tag) =	ssettag s2;
	_ =	strace s9  }
0x27: {  	s1 =	sld [smem:$0x3FAB]  }
0x28: {  	s2 =	sld [smem:$0x3FAC]  }
0x29: {  	s4 =	sld [smem:$0x3FAE]  }
0x2a: {  	p0 =	seq.s32 s5, $0x0;
	s5 =	sld [smem:$0x3FAF]  }
0x2b: {  	s6 =	sld [smem:$0x3FB0]  }
0x2c: {  	s7 =	sld [smem:$0x3FB1]  }
0x2d: {  	s3 =	simm.s32 $0x108;
	s8 =	sld [smem:$0x3FB2]  }
0x2e: {  	s3 =	simm.s32 @!p0 $0x1082;
	s9 =	sld [smem:$0x3FB3]  }
0x2f: {  	lr =	sadd.s32 s0, s3;
	s0 =	sld [smem:$0x3FAA]  }
0x30: {  	s3 =	sld [smem:$0x3FAD]  }
0x31: {  	[smem:$0x3FB6] =	sst s10  }
0x32: {  	s10 =	sld [smem:$0x3FB4];
	_ =	sdelay $0x3  }
0x33: {  	p0 =	seq.s32 s10, $0x1;
	s10 =	sld [smem:$0x3FB6];
	_ =	sdelay $0x3  }
0x34: {  	[smem:$0x3FB6] =	sst s10  }
0x35: {  	s10 =	sld [smem:$0x3FB5];
	_ =	sdelay $0x3  }
0x36: {  	p1 =	seq.s32 s10, $0x1;
	s10 =	sld [smem:$0x3FB6];
	_ =	sdelay $0x3  }
0x37: {  	[smem:$0x3FB6] =	sst s10  }
0x38: {  	s10 =	sld [smem:$0x3FB7]  }
0x39: {  	_ = 	snop;
	(pc) =	sbr.ind lr, $3  }
0x3a: {  	_ = 	snop  }
0x3b: {  	_ = 	snop  }
0x3c: {  	p2 =	seq.s32 s10, $0x1;
	s10 =	sld [smem:$0x3FB6]  }
0x3d: {  	_ =	shalt  }
0x3e: {  	_ =	shalt  }
0x3f: {  	_ =	shalt  }
0x40: {  	_ =	shalt  }
0x41: {  	_ =	shalt  }
0x42: {  	_ =	shalt  }
0x43: {  	_ =	shalt  }
0x44: {  	_ =	shalt  }
0x45: {  	_ =	shalt  }
0x46: {  	_ =	shalt  }
0x47: {  	_ =	shalt  }
0x48: {  	_ =	shalt  }
0x49: {  	_ =	shalt  }
0x4a: {  	_ =	shalt  }
0x4b: {  	_ =	shalt  }
0x4c: {  	_ =	shalt  }
0x4d: {  	_ =	shalt  }
0x4e: {  	_ =	shalt  }
0x4f: {  	_ =	shalt  }
0x50: {  	_ =	shalt  }
0x51: {  	_ =	shalt  }
0x52: {  	_ =	shalt  }
0x53: {  	_ =	shalt  }
0x54: {  	_ =	shalt  }
0x55: {  	_ =	shalt  }
0x56: {  	_ =	shalt  }
0x57: {  	_ =	shalt  }
0x58: {  	_ =	shalt  }
0x59: {  	_ =	shalt  }
0x5a: {  	_ =	shalt  }
0x5b: {  	_ =	shalt  }
0x5c: {  	_ =	shalt  }
0x5d: {  	_ =	shalt  }
0x5e: {  	_ =	shalt  }
0x5f: {  	_ =	shalt  }
0x60: {  	_ =	shalt  }
0x61: {  	_ =	shalt  }
0x62: {  	_ =	shalt  }
0x63: {  	_ =	shalt  }
0x64: {  	_ =	shalt  }
0x65: {  	_ =	shalt  }
0x66: {  	_ =	shalt  }
0x67: {  	_ =	shalt  }
0x68: {  	_ =	shalt  }
0x69: {  	_ =	shalt  }
0x6a: {  	_ =	shalt  }
0x6b: {  	_ =	shalt  }
0x6c: {  	_ =	shalt  }
0x6d: {  	_ =	shalt  }
0x6e: {  	_ =	shalt  }
0x6f: {  	_ =	shalt  }
0x70: {  	_ =	shalt  }
0x71: {  	_ =	shalt  }
0x72: {  	_ =	shalt  }
0x73: {  	_ =	shalt  }
0x74: {  	_ =	shalt  }
0x75: {  	_ =	shalt  }
0x76: {  	_ =	shalt  }
0x77: {  	_ =	shalt  }
0x78: {  	_ =	shalt  }
0x79: {  	_ =	shalt  }
0x7a: {  	_ =	shalt  }
0x7b: {  	_ =	shalt  }
0x7c: {  	_ =	shalt  }
0x7d: {  	_ =	shalt  }
0x7e: {  	_ =	shalt  }
0x7f: {  	_ =	shalt  }
0x80: {  	_ =	shalt  }
0x81: {  	_ =	shalt  }
0x82: {  	_ =	shalt  }
0x83: {  	_ =	shalt  }
0x84: {  	_ =	shalt  }
0x85: {  	_ =	shalt  }
0x86: {  	_ =	shalt  }
0x87: {  	_ =	shalt  }
.Lfunc_end0:
.L_simem_size_0:
called_computation_lowered:
.L_overlay_start_0:
0x88: {  	s2 =	sld [smem:$0x3FD9]  }
0x89: {  	s3 =	sld [smem:$0x3FFE];
	_ =	sdelay $0x1  }
0x8a: {  	s1 =	srdreg.scid  }
0x8b: {  	s0 =	sand.u32 $0x1, s1  }
0x8c: {  	s16 =	sshll.u32 s0, $0xA;
	s2 =	sadd.s32 s3, s2  }
0x8d: {  	s2 =	sadd.s32 s2, s16  }
0x8e: {  	[smem:$0x3FC2] =	sst s2  }
0x8f: {  	_ = 	snop  }
0x90: {  	(tm) =	ssettm $0x1  }
0x91: {  	s17 =	sld [smem:$0x3FFB];
	_ =	sdelay $0x3  }
0x92: {  	_ =	strace s17  }
0x93: {  	s2 =	sld [smem:$0x3FFC];
	_ =	sdelay $0x3  }
0x94: {  	_ =	strace s2  }
0x95: {  	s2 =	sld [smem:$0x3FFD];
	_ =	sdelay $0x3  }
0x96: {  	_ =	strace s2  }
0x97: {  	_ =	strace $0x8FFFFFFF  }
0x98: {  	s18 =	sld [smem:$0x3FDB];
	_ =	sdelay $0x1  }
0x99: {  	s19 =	simm.s32 $_scs_section_size  }
0x9a: {  	s4 =	simm.s32 $_size__tile_overlayer_lowered;
	s5 =	simm.s32 $_tile_overlayer_lowered  }
0x9b: {  	s22 =	simm.s32 $0x1BFF;
	s21 =	sshll.u32 s5, $0x1;
	s2 =	sadd.s32 s19, s18  }
0x9c: {  	s6 =	simm.s32 $0x0;
	s20 =	sshll.u32 s4, $0x1;
	s4 =	sadd.s32 s21, s2  }
0x9d: {  	[timem:s6], [sflag:s22] =	dma.local [hbm:s4], s20  }
0x9e: {  	_ =	swait.ge [sflag:s22], s20  }
0x9f: {  	s3 =	ssub.s32 $0x0, s20;
	[sflag:s22] =	ssyncset.done $0x0  }
0xa0: {  	[sflag:s22] =	ssyncadd.s32 s3;
	_ =	sdelay $0x1  }
0xa1: {  	s23 =	simm.s32 $0x1B8B  }
0xa2: {  	_ =	swait.ge [sflag:s23], $0x1  }
0xa3: {  	[sflag:s23] =	ssyncset.done $0x0  }
0xa4: {  	s25 =	simm.s32 $0x1B8E;
	s24 =	sld [smem:$0x3FFE];
	[sflag:s23] =	ssyncadd.s32 $0xFFFFFFFF  }
0xa5: {  	s26 =	simm.s32 $execute0_lowered;
	[smem:$0x3FD2] =	sst s25  }
0xa6: {  	s4 =	sshll.u32 s26, $0x1;
	_ =	strace $0x80000046;
	[dreg:$0x1] =	wrdreg $0xFFFFFFFF  }
0xa7: {  	s28 =	simm.s32 $_size_execute0_lowered;
	s2 =	sadd.s32 s2, s4;
	[dreg:$0x0] =	wrdreg $0x0  }
0xa8: {  	s4 =	sshll.u32 s28, $0x1;
	[dreg:$0x2] =	wrdreg s2  }
0xa9: {  	[dreg:$0x3] =	wrdreg s4  }
0xaa: {  	[dreg:$0x4] =	wrdreg $0xC0  }
0xab: {  	_ =	task [dreg:s6], $0x5FFFF  }
0xac: {  	[dreg:$0x1] =	wrdreg $0xFFFFFFFF  }
0xad: {  	[dreg:$0x0] =	wrdreg $0x60  }
0xae: {  	[dreg:$0x2] =	wrdreg s24  }
0xaf: {  	[dreg:$0x3] =	wrdreg $0x9  }
0xb0: {  	_ =	task.clear_ibuf [dreg:s6], $0x4FFFF;
	_ =	strace $0x90000046  }
0xb1: {  	s29 =	simm.s32 $0x9;
	_ =	strace $0x80000048  }
0xb2: {  	_ =	swait.ge [sflag:s29], $0x1  }
0xb3: {  	[sflag:s29] =	ssyncadd.s32 $0xFFFFFFFF  }
0xb4: {  	_ =	strace $0x90000048  }
0xb5: {  	_ =	sfence  }
0xb6: {  	s30 =	sld [smem:$0x0];
	_ =	sdelay $0x2  }
0xb7: {  	s31 =	sshll.u32 s1, $0xD;
	s1 =	sshrl.u32 s1, $0x2  }
0xb8: {  	s3 =	sand.u32 $0x4000, s31;
	s1 =	sadd.s32 s1, s30  }
0xb9: {  	s0 =	sor.u32 s3, s0;
	s1 =	sshll.u32 s1, $0x11  }
0xba: {  	s0 =	sor.u32 s1, s0  }
0xbb: {  	s0 =	sadd.s32 $0x8F2B, s0  }
0xbc: {  	[sflag:s0] =	ssyncadd.remote.s32 $0x1  }
0xbd: {  	_ =	sfence.sel $0xFFFF  }
0xbe: {  	[dreg:$0x0] =	wrdreg $0xFFFFFFFF;
	(pc) =	sbr.abs _section_cstart, $3  }
0xbf: {  	[dreg:$0x1] =	wrdreg $0xFFFFFFFF  }
0xc0: {  	_ =	task.clear_ibuf [dreg:s6], $0x2FFFF;
	_ =	strace $0x9FFFFFFF  }
0xc1: {  	(tm) =	ssettm $0x7FFFFFFF  }
tec
execute0_lowered:
.L_overlay_start_1:
0x0: {  	(tag) =	ssettag $0x1  }
0x1: {  	s1 =	srdreg.scid  }
0x2: {  	s0 =	stileid.u32;
	s4 =	rddreg [dreg:$0x0];
	s2 =	simm.s32 $0x0  }
0x3: {  	s9 =	simm.s32 $0x6400;
	s10 =	simm.s32 $0x48;
	s11 =	simm.s32 $0x8400  }
0x4: {  	s12 =	simm.s32 $0xC8;
	s13 =	simm.s32 $0x9800;
	s14 =	simm.s32 $0x148  }
0x5: {  	s15 =	simm.s32 $0xB800;
	s16 =	simm.s32 $0x1;
	s17 =	simm.s32 $0x2  }
0x6: {  	s18 =	simm.s32 $0x3;
	s19 =	simm.s32 $0x4;
	s20 =	simm.s32 $0xCC00  }
0x7: {  	s21 =	simm.s32 $0x0;
	s3 =	sand.u32 $0x1, s1;
	s1 =	rddreg [dreg:$0x1]  }
0x8: {  	s5 =	sshll.u32 s0, $0x8;
	[smem:$0x7FF] =	sst s2;
	s6 =	sshll.u32 s3, $0x7  }
0x9: {  	_ =	strace $0x80000047;
	s7 =	ssub.s32 $0x2, s3;
	s5 =	sor.u32 s6, s5  }
0xa: {  	s8 =	sshrl.u32 s7, $0x1;
	s6 =	smul.u32 $0x19, s5;
	s5 =	sshll.u32 s5, $0x3  }
0xb: {  	s3 =	sadd.s32 $0xF43200, s4;
	s7 =	ssub.s32 s7, s8;
	s5 =	sadd.s32 s5, s4  }
0xc: {  	s8 =	simm.s32 $0x80;
	s6 =	sadd.s32 s6, s4;
	s5 =	sadd.s32 $0x19E00, s5  }
0xd: {  	v0 =	vimm.f32 $0.0e+00;
	s4 =	sadd.s32 $0xE00, s6;
	s6 =	smax.u32 s7, $0x1;
	s7 =	simm.s32 $0x5  }
.LBB2_1:
0xe: {  	[tilespmem:s2], [sflag:$0x5] =	stream.linear.gather [hbm4b:s4+s2], $0x6400, $0x38;
	[tilespmem:$0xEC00] =	vst v63  }
0xf: {  	_ =	swait.ge [sflag:s7], $0x6400  }
0x10: {  	[sflag:s7] =	ssyncset.done $0x0  }
0x11: {  	[sflag:s7] =	ssyncadd.s32 $0xFFFF9C00  }
0x12: {  	[tilespmem:$0x9600] =	vst v0  }
0x13: {  	[tilespmem:$0x9610] =	vst v0  }
0x14: {  	[tilespmem:$0x9620] =	vst v0  }
0x15: {  	[tilespmem:$0x9630] =	vst v0  }
0x16: {  	[tilespmem:$0x9640] =	vst v0  }
0x17: {  	[tilespmem:$0x9650] =	vst v0  }
0x18: {  	[tilespmem:$0x9660] =	vst v0  }
0x19: {  	[tilespmem:$0x9670] =	vst v0  }
0x1a: {  	[tilespmem:$0x9680] =	vst v0  }
0x1b: {  	[tilespmem:$0x9690] =	vst v0  }
0x1c: {  	[tilespmem:$0x96A0] =	vst v0  }
0x1d: {  	[tilespmem:$0x96B0] =	vst v0  }
0x1e: {  	[tilespmem:$0x96C0] =	vst v0  }
0x1f: {  	[tilespmem:$0x96D0] =	vst v0  }
0x20: {  	[tilespmem:$0x96E0] =	vst v0  }
0x21: {  	[tilespmem:$0x96F0] =	vst v0  }
0x22: {  	[tilespmem:$0x9700] =	vst v0  }
0x23: {  	[tilespmem:$0x9710] =	vst v0  }
0x24: {  	[tilespmem:$0x9720] =	vst v0  }
0x25: {  	[tilespmem:$0x9730] =	vst v0  }
0x26: {  	[tilespmem:$0x9740] =	vst v0  }
0x27: {  	[tilespmem:$0x9750] =	vst v0  }
0x28: {  	[tilespmem:$0x9760] =	vst v0  }
0x29: {  	[tilespmem:$0x9770] =	vst v0  }
0x2a: {  	[tilespmem:$0x9780] =	vst v0  }
0x2b: {  	[tilespmem:$0x9790] =	vst v0  }
0x2c: {  	[tilespmem:$0x97A0] =	vst v0  }
0x2d: {  	[tilespmem:$0x97B0] =	vst v0  }
0x2e: {  	[tilespmem:$0x97C0] =	vst v0  }
0x2f: {  	[tilespmem:$0x97D0] =	vst v0  }
0x30: {  	[tilespmem:$0x97E0] =	vst v0  }
0x31: {  	[tilespmem:$0x97F0] =	vst v0  }
0x32: {  	[tilespmem:$0xCA00] =	vst v0  }
0x33: {  	[tilespmem:$0xCA10] =	vst v0  }
0x34: {  	[tilespmem:$0xCA20] =	vst v0  }
0x35: {  	[tilespmem:$0xCA30] =	vst v0  }
0x36: {  	[tilespmem:$0xCA40] =	vst v0  }
0x37: {  	[tilespmem:$0xCA50] =	vst v0  }
0x38: {  	[tilespmem:$0xCA60] =	vst v0  }
0x39: {  	[tilespmem:$0xCA70] =	vst v0  }
0x3a: {  	[tilespmem:$0xCA80] =	vst v0  }
0x3b: {  	[tilespmem:$0xCA90] =	vst v0  }
0x3c: {  	[tilespmem:$0xCAA0] =	vst v0  }
0x3d: {  	[tilespmem:$0xCAB0] =	vst v0  }
0x3e: {  	[tilespmem:$0xCAC0] =	vst v0  }
0x3f: {  	[tilespmem:$0xCAD0] =	vst v0  }
0x40: {  	[tilespmem:$0xCAE0] =	vst v0  }
0x41: {  	[tilespmem:$0xCAF0] =	vst v0  }
0x42: {  	[tilespmem:$0xCB00] =	vst v0  }
0x43: {  	[tilespmem:$0xCB10] =	vst v0  }
0x44: {  	[tilespmem:$0xCB20] =	vst v0  }
0x45: {  	[tilespmem:$0xCB30] =	vst v0  }
0x46: {  	[tilespmem:$0xCB40] =	vst v0  }
0x47: {  	[tilespmem:$0xCB50] =	vst v0  }
0x48: {  	[tilespmem:$0xCB60] =	vst v0  }
0x49: {  	[tilespmem:$0xCB70] =	vst v0  }
0x4a: {  	[tilespmem:$0xCB80] =	vst v0  }
0x4b: {  	[tilespmem:$0xCB90] =	vst v0  }
0x4c: {  	[tilespmem:$0xCBA0] =	vst v0  }
0x4d: {  	[tilespmem:$0xCBB0] =	vst v0  }
0x4e: {  	[tilespmem:$0xCBC0] =	vst v0  }
0x4f: {  	[tilespmem:$0xCBD0] =	vst v0  }
0x50: {  	[tilespmem:$0xCBE0] =	vst v0  }
0x51: {  	[tilespmem:$0xCBF0] =	vst v0  }
0x52: {  	[tilespmem:s9], [sflag:$0x1] =	stream.indirect.gather [hbm4b:s3+s8], $0x40, s2, s8, $0xb8;
	[tilespmem:$0xEC00] =	vst v63  }
0x53: {  	_ = 	snop  }
0x54: {  	[tilespmem:s11], [sflag:$0x2] =	stream.indirect.gather [hbm4b:s3+s10], $0x40, s8, s10, $0xb8;
	[tilespmem:$0xEC00] =	vst v63  }
0x55: {  	_ = 	snop  }
0x56: {  	[tilespmem:s13], [sflag:$0x3] =	stream.indirect.gather [hbm4b:s3+s8], $0x40, s12, s8, $0xb8;
	[tilespmem:$0xEC00] =	vst v63  }
0x57: {  	s22 =	simm.s32 $0x0  }
0x58: {  	[tilespmem:s15], [sflag:$0x4] =	stream.indirect.gather [hbm4b:s3+s10], $0x40, s14, s10, $0xb8;
	[tilespmem:$0xEC00] =	vst v63  }
.LBB2_2:
0x59: {  	_ =	swait.ge [sflag:s16], $0x2000  }
0x5a: {  	[sflag:s16] =	ssyncset.done $0x0  }
0x5b: {  	s24 =	simm.s32 $0x0;
	[sflag:s16] =	ssyncadd.s32 $0xFFFFE000  }
0x5c: {  	v3 =	vld [tilespmem:s24+$0x65C0]  }
0x5d: {  	v4 =	vld [tilespmem:s24+$0x65D0]  }
0x5e: {  	v5 =	vld [tilespmem:s24+$0x6580]  }
0x5f: {  	v7 =	vld [tilespmem:s24+$0x6590]  }
0x60: {  	v9 =	vld [tilespmem:s24+$0x6540]  }
0x61: {  	v10 =	vld [tilespmem:s24+$0x6550]  }
0x62: {  	v13 =	vld [tilespmem:s24+$0x6500]  }
0x63: {  	v14 =	vld [tilespmem:s24+$0x6510]  }
0x64: {  	v16 =	vld [tilespmem:s24+$0x64C0]  }
0x65: {  	v17 =	vld [tilespmem:s24+$0x64D0]  }
0x66: {  	v12 =	vld [tilespmem:s24+$0x6480]  }
0x67: {  	v15 =	vld [tilespmem:s24+$0x6490]  }
0x68: {  	v18 =	vld [tilespmem:s24+$0x6440]  }
0x69: {  	v19 =	vld [tilespmem:s24+$0x6450]  }
0x6a: {  	v20 =	vld [tilespmem:s24+$0x6400]  }
0x6b: {  	v2 =	vimm.f32 $0.0e+00;
	v22 =	vld [tilespmem:s24+$0x6410]  }
0x6c: {  	s23 =	simm.s32 $0x800;
	v11 =	vimm.f32 $0.0e+00;
	v6 =	vimm.f32 $0.0e+00;
	v8 =	vimm.f32 $0.0e+00;
	v21 =	vld [tilespmem:s24+$0x6420]  }
.LBB2_3:
0x6d: {  	p0 =	sne.s32 s23, $0x7800;
	v1 =	vld [tilespmem:s24+$0x6430]  }
0x6e: {  	v23 =	vld [tilespmem:s24+$0x6460]  }
0x6f: {  	v24 =	vld [tilespmem:s24+$0x6470]  }
0x70: {  	v25 =	vld [tilespmem:s24+$0x64A0]  }
0x71: {  	v2 =	vadd.f32 v20, v2;
	v11 =	vadd.f32 v22, v11;
	v20 =	vld [tilespmem:s24+$0x64B0]  }
0x72: {  	v6 =	vadd.f32 v21, v6;
	v1 =	vadd.f32 v1, v8;
	v8 =	vld [tilespmem:s24+$0x64E0]  }
0x73: {  	v2 =	vadd.f32 v18, v2;
	v11 =	vadd.f32 v19, v11;
	v18 =	vld [tilespmem:s24+$0x64F0]  }
0x74: {  	v6 =	vadd.f32 v23, v6;
	v1 =	vadd.f32 v24, v1;
	v19 =	vld [tilespmem:s24+$0x6520]  }
0x75: {  	v2 =	vadd.f32 v12, v2;
	v11 =	vadd.f32 v15, v11;
	v12 =	vld [tilespmem:s24+$0x6530]  }
0x76: {  	v6 =	vadd.f32 v25, v6;
	v1 =	vadd.f32 v20, v1;
	v15 =	vld [tilespmem:s24+$0x6560]  }
0x77: {  	v2 =	vadd.f32 v16, v2;
	v11 =	vadd.f32 v17, v11;
	v16 =	vld [tilespmem:s24+$0x6570]  }
0x78: {  	v6 =	vadd.f32 v8, v6;
	v1 =	vadd.f32 v18, v1;
	v8 =	vld [tilespmem:s24+$0x65A0]  }
0x79: {  	v2 =	vadd.f32 v13, v2;
	v11 =	vadd.f32 v14, v11;
	v13 =	vld [tilespmem:s24+$0x65B0]  }
0x7a: {  	v6 =	vadd.f32 v19, v6;
	v1 =	vadd.f32 v12, v1;
	v12 =	vld [tilespmem:s24+$0x65E0]  }
0x7b: {  	v2 =	vadd.f32 v9, v2;
	v9 =	vadd.f32 v10, v11;
	v10 =	vld [tilespmem:s24+$0x65F0];
	s24 =	sshra.s32 s23, $0x2  }
0x7c: {  	v6 =	vadd.f32 v15, v6;
	v14 =	vld [tilespmem:s24+$0x65C0];
	v1 =	vadd.f32 v16, v1  }
0x7d: {  	v2 =	vadd.f32 v5, v2;
	v9 =	vadd.f32 v7, v9;
	v15 =	vld [tilespmem:s24+$0x65D0]  }
0x7e: {  	v6 =	vadd.f32 v8, v6;
	v5 =	vld [tilespmem:s24+$0x6580];
	v1 =	vadd.f32 v13, v1  }
0x7f: {  	v2 =	vadd.f32 v3, v2;
	v11 =	vadd.f32 v4, v9;
	v7 =	vld [tilespmem:s24+$0x6590]  }
0x80: {  	v6 =	vadd.f32 v12, v6;
	v9 =	vld [tilespmem:s24+$0x6540];
	v8 =	vadd.f32 v10, v1  }
0x81: {  	v10 =	vld [tilespmem:s24+$0x6550];
	v3 =	vmov v14  }
0x82: {  	v13 =	vld [tilespmem:s24+$0x6500];
	v4 =	vmov v15  }
0x83: {  	v14 =	vld [tilespmem:s24+$0x6510]  }
0x84: {  	v16 =	vld [tilespmem:s24+$0x64C0]  }
0x85: {  	v17 =	vld [tilespmem:s24+$0x64D0]  }
0x86: {  	v12 =	vld [tilespmem:s24+$0x6480]  }
0x87: {  	v15 =	vld [tilespmem:s24+$0x6490]  }
.Ltmp0:
0x88: {  	v18 =	vld [tilespmem:s24+$0x6440];
	(pc) =	sbr.rel @p0 .LBB2_3-.Ltmp0, $4  }
0x89: {  	v19 =	vld [tilespmem:s24+$0x6450]  }
0x8a: {  	v20 =	vld [tilespmem:s24+$0x6400]  }
0x8b: {  	v22 =	vld [tilespmem:s24+$0x6410]  }
0x8c: {  	s23 =	sadd.s32 $0x800, s23;
	v21 =	vld [tilespmem:s24+$0x6420]  }
0x8d: {  	v23 =	vld [tilespmem:s24+$0x6430]  }
0x8e: {  	v24 =	vld [tilespmem:s24+$0x6460]  }
0x8f: {  	v25 =	vld [tilespmem:s24+$0x6470]  }
0x90: {  	v26 =	vld [tilespmem:s24+$0x64A0]  }
0x91: {  	v27 =	vld [tilespmem:s24+$0x64B0]  }
0x92: {  	v28 =	vld [tilespmem:s24+$0x64E0]  }
0x93: {  	v29 =	vld [tilespmem:s24+$0x64F0]  }
0x94: {  	v30 =	vld [tilespmem:s24+$0x6520]  }
0x95: {  	v31 =	vld [tilespmem:s24+$0x6530]  }
0x96: {  	v32 =	vld [tilespmem:s24+$0x6560]  }
0x97: {  	v33 =	vld [tilespmem:s24+$0x6570];
	p0 =	seq.s32 s22, $0x3F  }
0x98: {  	v34 =	vld [tilespmem:s24+$0x65A0];
	s23 =	smul.u32 @!p0 $0x640, s22  }
0x99: {  	v35 =	vld [tilespmem:s24+$0x65B0]  }
0x9a: {  	v36 =	vld [tilespmem:s24+$0x65E0];
	s23 =	sshra.s32 @!p0 s23, $0x2  }
0x9b: {  	v37 =	vld [tilespmem:s24+$0x65F0];
	s25 =	simm.s32 @!p0 $0x80;
	s26 =	simm.s32 @!p0 $0x6400;
	s24 =	sadd.s32 @!p0 $0x190, s23  }
0x9c: {  	[tilespmem:s26], [sflag:$0x1] =	stream.indirect.gather @!p0 [hbm4b:s3+s25], $0x40, s24, s25, $0xb8;
	[tilespmem:$0xEC00] =	vst v63  }
0x9d: {  	_ =	swait.ge [sflag:s17], $0x1200  }
0x9e: {  	[sflag:s17] =	ssyncset.done $0x0  }
0x9f: {  	s24 =	simm.s32 $0x0;
	[sflag:s17] =	ssyncadd.s32 $0xFFFFEE00  }
0xa0: {  	v1 =	vld [tilespmem:s24+$0x85C0]  }
0xa1: {  	v20 =	vadd.f32 v20, v2;
	v11 =	vadd.f32 v22, v11;
	v2 =	vld [tilespmem:s24+$0x85D0]  }
0xa2: {  	v21 =	vadd.f32 v21, v6;
	v22 =	vadd.f32 v23, v8;
	v6 =	vld [tilespmem:s24+$0x8580]  }
0xa3: {  	v18 =	vadd.f32 v18, v20;
	v19 =	vadd.f32 v19, v11;
	v8 =	vld [tilespmem:s24+$0x8590]  }
0xa4: {  	v20 =	vadd.f32 v24, v21;
	v21 =	vadd.f32 v25, v22;
	v11 =	vld [tilespmem:s24+$0x8540]  }
0xa5: {  	v18 =	vadd.f32 v12, v18;
	v19 =	vadd.f32 v15, v19;
	v12 =	vld [tilespmem:s24+$0x8550]  }
0xa6: {  	v20 =	vadd.f32 v26, v20;
	v21 =	vadd.f32 v27, v21;
	v15 =	vld [tilespmem:s24+$0x8500]  }
0xa7: {  	v18 =	vadd.f32 v16, v18;
	v19 =	vadd.f32 v17, v19;
	v16 =	vld [tilespmem:s24+$0x8510]  }
0xa8: {  	v17 =	vld [tilespmem:s24+$0x84C0];
	v20 =	vadd.f32 v28, v20;
	v21 =	vadd.f32 v29, v21  }
0xa9: {  	v18 =	vadd.f32 v13, v18;
	v13 =	vld [tilespmem:s24+$0x84D0];
	v19 =	vadd.f32 v14, v19  }
0xaa: {  	v14 =	vld [tilespmem:s24+$0x8480];
	v20 =	vadd.f32 v30, v20;
	v21 =	vadd.f32 v31, v21  }
0xab: {  	v18 =	vadd.f32 v9, v18;
	v9 =	vld [tilespmem:s24+$0x8490];
	v19 =	vadd.f32 v10, v19  }
0xac: {  	v10 =	vld [tilespmem:s24+$0x8440];
	v20 =	vadd.f32 v32, v20;
	v21 =	vadd.f32 v33, v21  }
0xad: {  	v5 =	vadd.f32 v5, v18;
	v18 =	vld [tilespmem:s24+$0x8450];
	v22 =	vadd.f32 v7, v19  }
0xae: {  	v19 =	vld [tilespmem:s24+$0x8400];
	v23 =	vadd.f32 v34, v20;
	v21 =	vadd.f32 v35, v21  }
0xaf: {  	v7 =	vadd.f32 v3, v5;
	v20 =	vld [tilespmem:s24+$0x8410];
	v4 =	vadd.f32 v4, v22  }
0xb0: {  	s25 =	simm.s32 $0x800;
	v5 =	vadd.f32 v36, v23;
	v3 =	vadd.f32 v37, v21;
	v21 =	vld [tilespmem:s24+$0x8420]  }
.LBB2_5:
0xb1: {  	p1 =	sne.s32 s25, $0x4800;
	v22 =	vld [tilespmem:s24+$0x8430]  }
0xb2: {  	v23 =	vld [tilespmem:s24+$0x8460]  }
0xb3: {  	v24 =	vld [tilespmem:s24+$0x8470]  }
0xb4: {  	v25 =	vld [tilespmem:s24+$0x84A0]  }
0xb5: {  	v7 =	vadd.f32 v19, v7;
	v4 =	vadd.f32 v20, v4;
	v19 =	vld [tilespmem:s24+$0x84B0]  }
0xb6: {  	v5 =	vadd.f32 v21, v5;
	v3 =	vadd.f32 v22, v3;
	v20 =	vld [tilespmem:s24+$0x84E0]  }
0xb7: {  	v7 =	vadd.f32 v10, v7;
	v4 =	vadd.f32 v18, v4;
	v10 =	vld [tilespmem:s24+$0x84F0]  }
0xb8: {  	v5 =	vadd.f32 v23, v5;
	v3 =	vadd.f32 v24, v3;
	v18 =	vld [tilespmem:s24+$0x8520]  }
0xb9: {  	v7 =	vadd.f32 v14, v7;
	v4 =	vadd.f32 v9, v4;
	v9 =	vld [tilespmem:s24+$0x8530]  }
0xba: {  	v5 =	vadd.f32 v25, v5;
	v3 =	vadd.f32 v19, v3;
	v14 =	vld [tilespmem:s24+$0x8560]  }
0xbb: {  	v7 =	vadd.f32 v17, v7;
	v4 =	vadd.f32 v13, v4;
	v13 =	vld [tilespmem:s24+$0x8570]  }
0xbc: {  	v5 =	vadd.f32 v20, v5;
	v3 =	vadd.f32 v10, v3;
	v10 =	vld [tilespmem:s24+$0x85A0]  }
0xbd: {  	v7 =	vadd.f32 v15, v7;
	v4 =	vadd.f32 v16, v4;
	v15 =	vld [tilespmem:s24+$0x85B0]  }
0xbe: {  	v5 =	vadd.f32 v18, v5;
	v3 =	vadd.f32 v9, v3;
	v9 =	vld [tilespmem:s24+$0x85E0]  }
0xbf: {  	v7 =	vadd.f32 v11, v7;
	v4 =	vadd.f32 v12, v4;
	v12 =	vld [tilespmem:s24+$0x85F0];
	s24 =	sshra.s32 s25, $0x2  }
0xc0: {  	v5 =	vadd.f32 v14, v5;
	v16 =	vld [tilespmem:s24+$0x85C0];
	v3 =	vadd.f32 v13, v3  }
0xc1: {  	v7 =	vadd.f32 v6, v7;
	v4 =	vadd.f32 v8, v4;
	v13 =	vld [tilespmem:s24+$0x85D0]  }
0xc2: {  	v5 =	vadd.f32 v10, v5;
	v6 =	vld [tilespmem:s24+$0x8580];
	v3 =	vadd.f32 v15, v3  }
0xc3: {  	v7 =	vadd.f32 v1, v7;
	v4 =	vadd.f32 v2, v4;
	v8 =	vld [tilespmem:s24+$0x8590]  }
0xc4: {  	v5 =	vadd.f32 v9, v5;
	v11 =	vld [tilespmem:s24+$0x8540];
	v3 =	vadd.f32 v12, v3  }
0xc5: {  	v12 =	vld [tilespmem:s24+$0x8550];
	v1 =	vmov v16  }
0xc6: {  	v15 =	vld [tilespmem:s24+$0x8500];
	v2 =	vmov v13  }
0xc7: {  	v16 =	vld [tilespmem:s24+$0x8510]  }
0xc8: {  	v17 =	vld [tilespmem:s24+$0x84C0]  }
0xc9: {  	v13 =	vld [tilespmem:s24+$0x84D0]  }
0xca: {  	v14 =	vld [tilespmem:s24+$0x8480]  }
0xcb: {  	v9 =	vld [tilespmem:s24+$0x8490]  }
.Ltmp1:
0xcc: {  	v10 =	vld [tilespmem:s24+$0x8440];
	(pc) =	sbr.rel @p1 .LBB2_5-.Ltmp1, $4  }
0xcd: {  	v18 =	vld [tilespmem:s24+$0x8450]  }
0xce: {  	v19 =	vld [tilespmem:s24+$0x8400]  }
0xcf: {  	v20 =	vld [tilespmem:s24+$0x8410]  }
0xd0: {  	s25 =	sadd.s32 $0x800, s25;
	v21 =	vld [tilespmem:s24+$0x8420]  }
0xd1: {  	v22 =	vld [tilespmem:s24+$0x8430]  }
0xd2: {  	v23 =	vld [tilespmem:s24+$0x8460]  }
0xd3: {  	v24 =	vld [tilespmem:s24+$0x8470];
	v7 =	vadd.f32 v19, v7  }
0xd4: {  	v19 =	vld [tilespmem:s24+$0x84A0];
	v4 =	vadd.f32 v20, v4  }
0xd5: {  	v20 =	vld [tilespmem:s24+$0x84B0];
	v5 =	vadd.f32 v21, v5;
	v7 =	vadd.f32 v10, v7  }
0xd6: {  	v10 =	vld [tilespmem:s24+$0x84E0];
	v3 =	vadd.f32 v22, v3;
	v4 =	vadd.f32 v18, v4  }
0xd7: {  	v18 =	vld [tilespmem:s24+$0x84F0];
	v5 =	vadd.f32 v23, v5;
	v7 =	vadd.f32 v14, v7  }
0xd8: {  	v14 =	vld [tilespmem:s24+$0x8520];
	v3 =	vadd.f32 v24, v3;
	v4 =	vadd.f32 v9, v4  }
0xd9: {  	v9 =	vld [tilespmem:s24+$0x8530];
	v5 =	vadd.f32 v19, v5;
	v7 =	vadd.f32 v17, v7  }
0xda: {  	v17 =	vld [tilespmem:s24+$0x8560];
	v3 =	vadd.f32 v20, v3;
	v4 =	vadd.f32 v13, v4  }
0xdb: {  	v13 =	vld [tilespmem:s24+$0x8570];
	v5 =	vadd.f32 v10, v5;
	v7 =	vadd.f32 v15, v7  }
0xdc: {  	v10 =	vld [tilespmem:s24+$0x85A0];
	v3 =	vadd.f32 v18, v3;
	v4 =	vadd.f32 v16, v4  }
0xdd: {  	v15 =	vld [tilespmem:s24+$0x85B0];
	v5 =	vadd.f32 v14, v5;
	v7 =	vadd.f32 v11, v7  }
0xde: {  	v3 =	vadd.f32 v9, v3;
	v9 =	vld [tilespmem:s24+$0x85E0];
	v4 =	vadd.f32 v12, v4  }
0xdf: {  	v11 =	vld [tilespmem:s24+$0x85F0];
	v5 =	vadd.f32 v17, v5;
	v6 =	vadd.f32 v6, v7  }
0xe0: {  	v3 =	vadd.f32 v13, v3;
	v4 =	vadd.f32 v8, v4  }
0xe1: {  	s25 =	simm.s32 @!p0 $0x48;
	v5 =	vadd.f32 v10, v5;
	v1 =	vadd.f32 v1, v6  }
0xe2: {  	s26 =	simm.s32 @!p0 $0x8400;
	s31 =	sshll.u32 s22, $0x7;
	s24 =	sadd.s32 @!p0 $0x210, s23;
	v3 =	vadd.f32 v15, v3;
	v2 =	vadd.f32 v2, v4  }
0xe3: {  	[tilespmem:s26], [sflag:$0x2] =	stream.indirect.gather @!p0 [hbm4b:s3+s25], $0x40, s24, s25, $0xb8;
	v4 =	vadd.f32 v9, v5;
	v1 =	vmul.f32 $4.999999890e-03, v1;
	[tilespmem:$0xEC00] =	vst v63  }
0xe4: {  	s24 =	sand.u32 $0x3FFFFF80, s31;
	v3 =	vadd.f32 v11, v3;
	v2 =	vmul.f32 $4.999999890e-03, v2  }
0xe5: {  	[tilespmem:s24+$0xCC00] =	vst v1;
	v1 =	vmul.f32 $4.999999890e-03, v4  }
0xe6: {  	[tilespmem:s24+$0xCC10] =	vst v2;
	v2 =	vmul.f32 $4.999999890e-03, v3  }
0xe7: {  	[tilespmem:s24+$0xCC20] =	vst v1  }
0xe8: {  	[tilespmem:s24+$0xCC30] =	vst v2  }
0xe9: {  	_ =	swait.ge [sflag:s18], $0x2000  }
0xea: {  	[sflag:s18] =	ssyncset.done $0x0  }
0xeb: {  	s25 =	simm.s32 $0x0;
	[sflag:s18] =	ssyncadd.s32 $0xFFFFE000  }
0xec: {  	v3 =	vld [tilespmem:s25+$0x99C0]  }
0xed: {  	v5 =	vld [tilespmem:s25+$0x99D0]  }
0xee: {  	v6 =	vld [tilespmem:s25+$0x9980]  }
0xef: {  	v8 =	vld [tilespmem:s25+$0x9990]  }
0xf0: {  	v9 =	vld [tilespmem:s25+$0x9940]  }
0xf1: {  	v11 =	vld [tilespmem:s25+$0x9950]  }
0xf2: {  	v13 =	vld [tilespmem:s25+$0x9900]  }
0xf3: {  	v14 =	vld [tilespmem:s25+$0x9910]  }
0xf4: {  	v16 =	vld [tilespmem:s25+$0x98C0]  }
0xf5: {  	v17 =	vld [tilespmem:s25+$0x98D0]  }
0xf6: {  	v12 =	vld [tilespmem:s25+$0x9880]  }
0xf7: {  	v15 =	vld [tilespmem:s25+$0x9890]  }
0xf8: {  	v18 =	vld [tilespmem:s25+$0x9840]  }
0xf9: {  	v19 =	vld [tilespmem:s25+$0x9850]  }
0xfa: {  	v20 =	vld [tilespmem:s25+$0x9800]  }
0xfb: {  	v7 =	vimm.f32 $0.0e+00;
	v22 =	vld [tilespmem:s25+$0x9810]  }
0xfc: {  	s26 =	simm.s32 $0x800;
	v10 =	vimm.f32 $0.0e+00;
	v4 =	vimm.f32 $0.0e+00;
	v2 =	vimm.f32 $0.0e+00;
	v21 =	vld [tilespmem:s25+$0x9820]  }
.LBB2_7:
0xfd: {  	p1 =	sne.s32 s26, $0x7800;
	v1 =	vld [tilespmem:s25+$0x9830]  }
0xfe: {  	v23 =	vld [tilespmem:s25+$0x9860]  }
0xff: {  	v24 =	vld [tilespmem:s25+$0x9870]  }
0x100: {  	v25 =	vld [tilespmem:s25+$0x98A0]  }
0x101: {  	v2 =	vadd.f32 v20, v2;
	v10 =	vadd.f32 v22, v10;
	v20 =	vld [tilespmem:s25+$0x98B0]  }
0x102: {  	v4 =	vadd.f32 v21, v4;
	v1 =	vadd.f32 v1, v7;
	v7 =	vld [tilespmem:s25+$0x98E0]  }
0x103: {  	v2 =	vadd.f32 v18, v2;
	v10 =	vadd.f32 v19, v10;
	v18 =	vld [tilespmem:s25+$0x98F0]  }
0x104: {  	v4 =	vadd.f32 v23, v4;
	v1 =	vadd.f32 v24, v1;
	v19 =	vld [tilespmem:s25+$0x9920]  }
0x105: {  	v2 =	vadd.f32 v12, v2;
	v10 =	vadd.f32 v15, v10;
	v12 =	vld [tilespmem:s25+$0x9930]  }
0x106: {  	v4 =	vadd.f32 v25, v4;
	v1 =	vadd.f32 v20, v1;
	v15 =	vld [tilespmem:s25+$0x9960]  }
0x107: {  	v2 =	vadd.f32 v16, v2;
	v10 =	vadd.f32 v17, v10;
	v16 =	vld [tilespmem:s25+$0x9970]  }
0x108: {  	v4 =	vadd.f32 v7, v4;
	v1 =	vadd.f32 v18, v1;
	v7 =	vld [tilespmem:s25+$0x99A0]  }
0x109: {  	v2 =	vadd.f32 v13, v2;
	v10 =	vadd.f32 v14, v10;
	v13 =	vld [tilespmem:s25+$0x99B0]  }
0x10a: {  	v4 =	vadd.f32 v19, v4;
	v1 =	vadd.f32 v12, v1;
	v12 =	vld [tilespmem:s25+$0x99E0]  }
0x10b: {  	v2 =	vadd.f32 v9, v2;
	v9 =	vadd.f32 v11, v10;
	v11 =	vld [tilespmem:s25+$0x99F0];
	s25 =	sshra.s32 s26, $0x2  }
0x10c: {  	v4 =	vadd.f32 v15, v4;
	v14 =	vld [tilespmem:s25+$0x99C0];
	v1 =	vadd.f32 v16, v1  }
0x10d: {  	v2 =	vadd.f32 v6, v2;
	v9 =	vadd.f32 v8, v9;
	v15 =	vld [tilespmem:s25+$0x99D0]  }
0x10e: {  	v4 =	vadd.f32 v7, v4;
	v6 =	vld [tilespmem:s25+$0x9980];
	v1 =	vadd.f32 v13, v1  }
0x10f: {  	v2 =	vadd.f32 v3, v2;
	v10 =	vadd.f32 v5, v9;
	v8 =	vld [tilespmem:s25+$0x9990]  }
0x110: {  	v4 =	vadd.f32 v12, v4;
	v9 =	vld [tilespmem:s25+$0x9940];
	v7 =	vadd.f32 v11, v1  }
0x111: {  	v11 =	vld [tilespmem:s25+$0x9950];
	v3 =	vmov v14  }
0x112: {  	v13 =	vld [tilespmem:s25+$0x9900];
	v5 =	vmov v15  }
0x113: {  	v14 =	vld [tilespmem:s25+$0x9910]  }
0x114: {  	v16 =	vld [tilespmem:s25+$0x98C0]  }
0x115: {  	v17 =	vld [tilespmem:s25+$0x98D0]  }
0x116: {  	v12 =	vld [tilespmem:s25+$0x9880]  }
0x117: {  	v15 =	vld [tilespmem:s25+$0x9890]  }
.Ltmp2:
0x118: {  	v18 =	vld [tilespmem:s25+$0x9840];
	(pc) =	sbr.rel @p1 .LBB2_7-.Ltmp2, $4  }
0x119: {  	v19 =	vld [tilespmem:s25+$0x9850]  }
0x11a: {  	v20 =	vld [tilespmem:s25+$0x9800]  }
0x11b: {  	v22 =	vld [tilespmem:s25+$0x9810]  }
0x11c: {  	s26 =	sadd.s32 $0x800, s26;
	v21 =	vld [tilespmem:s25+$0x9820]  }
0x11d: {  	v23 =	vld [tilespmem:s25+$0x9830]  }
0x11e: {  	v24 =	vld [tilespmem:s25+$0x9860]  }
0x11f: {  	v25 =	vld [tilespmem:s25+$0x9870]  }
0x120: {  	v26 =	vld [tilespmem:s25+$0x98A0]  }
0x121: {  	v27 =	vld [tilespmem:s25+$0x98B0]  }
0x122: {  	v28 =	vld [tilespmem:s25+$0x98E0]  }
0x123: {  	v29 =	vld [tilespmem:s25+$0x98F0]  }
0x124: {  	v30 =	vld [tilespmem:s25+$0x9920]  }
0x125: {  	v31 =	vld [tilespmem:s25+$0x9930]  }
0x126: {  	v32 =	vld [tilespmem:s25+$0x9960]  }
0x127: {  	v33 =	vld [tilespmem:s25+$0x9970]  }
0x128: {  	v34 =	vld [tilespmem:s25+$0x99A0]  }
0x129: {  	v35 =	vld [tilespmem:s25+$0x99B0]  }
0x12a: {  	v36 =	vld [tilespmem:s25+$0x99E0]  }
0x12b: {  	v37 =	vld [tilespmem:s25+$0x99F0];
	s25 =	sadd.s32 @!p0 $0x258, s23;
	s26 =	simm.s32 @!p0 $0x80;
	s28 =	simm.s32 @!p0 $0x9800  }
0x12c: {  	[tilespmem:s28], [sflag:$0x3] =	stream.indirect.gather @!p0 [hbm4b:s3+s26], $0x40, s25, s26, $0xb8;
	[tilespmem:$0xEC00] =	vst v63  }
0x12d: {  	_ =	swait.ge [sflag:s19], $0x1200  }
0x12e: {  	[sflag:s19] =	ssyncset.done $0x0  }
0x12f: {  	s25 =	simm.s32 $0x0;
	[sflag:s19] =	ssyncadd.s32 $0xFFFFEE00  }
0x130: {  	v1 =	vld [tilespmem:s25+$0xB9C0]  }
0x131: {  	v20 =	vadd.f32 v20, v2;
	v10 =	vadd.f32 v22, v10;
	v2 =	vld [tilespmem:s25+$0xB9D0]  }
0x132: {  	v21 =	vadd.f32 v21, v4;
	v22 =	vadd.f32 v23, v7;
	v4 =	vld [tilespmem:s25+$0xB980]  }
0x133: {  	v18 =	vadd.f32 v18, v20;
	v19 =	vadd.f32 v19, v10;
	v7 =	vld [tilespmem:s25+$0xB990]  }
0x134: {  	v10 =	vld [tilespmem:s25+$0xB940];
	v20 =	vadd.f32 v24, v21;
	v21 =	vadd.f32 v25, v22  }
0x135: {  	v18 =	vadd.f32 v12, v18;
	v12 =	vld [tilespmem:s25+$0xB950];
	v19 =	vadd.f32 v15, v19  }
0x136: {  	v15 =	vld [tilespmem:s25+$0xB900];
	v20 =	vadd.f32 v26, v20;
	v21 =	vadd.f32 v27, v21  }
0x137: {  	v18 =	vadd.f32 v16, v18;
	v16 =	vld [tilespmem:s25+$0xB910];
	v19 =	vadd.f32 v17, v19  }
0x138: {  	v17 =	vld [tilespmem:s25+$0xB8C0];
	v20 =	vadd.f32 v28, v20;
	v21 =	vadd.f32 v29, v21  }
0x139: {  	v18 =	vadd.f32 v13, v18;
	v13 =	vld [tilespmem:s25+$0xB8D0];
	v19 =	vadd.f32 v14, v19  }
0x13a: {  	v14 =	vld [tilespmem:s25+$0xB880];
	v20 =	vadd.f32 v30, v20;
	v21 =	vadd.f32 v31, v21  }
0x13b: {  	v18 =	vadd.f32 v9, v18;
	v9 =	vld [tilespmem:s25+$0xB890];
	v19 =	vadd.f32 v11, v19  }
0x13c: {  	v11 =	vld [tilespmem:s25+$0xB840];
	v20 =	vadd.f32 v32, v20;
	v21 =	vadd.f32 v33, v21  }
0x13d: {  	v6 =	vadd.f32 v6, v18;
	v18 =	vld [tilespmem:s25+$0xB850];
	v22 =	vadd.f32 v8, v19  }
0x13e: {  	v19 =	vld [tilespmem:s25+$0xB800];
	v23 =	vadd.f32 v34, v20;
	v21 =	vadd.f32 v35, v21  }
0x13f: {  	v8 =	vadd.f32 v3, v6;
	v20 =	vld [tilespmem:s25+$0xB810];
	v5 =	vadd.f32 v5, v22  }
0x140: {  	s26 =	simm.s32 $0x800;
	v6 =	vadd.f32 v36, v23;
	v3 =	vadd.f32 v37, v21;
	v21 =	vld [tilespmem:s25+$0xB820]  }
.LBB2_9:
0x141: {  	p1 =	sne.s32 s26, $0x4800;
	v22 =	vld [tilespmem:s25+$0xB830]  }
0x142: {  	v23 =	vld [tilespmem:s25+$0xB860]  }
0x143: {  	v24 =	vld [tilespmem:s25+$0xB870]  }
0x144: {  	v25 =	vld [tilespmem:s25+$0xB8A0]  }
0x145: {  	v8 =	vadd.f32 v19, v8;
	v5 =	vadd.f32 v20, v5;
	v19 =	vld [tilespmem:s25+$0xB8B0]  }
0x146: {  	v6 =	vadd.f32 v21, v6;
	v3 =	vadd.f32 v22, v3;
	v20 =	vld [tilespmem:s25+$0xB8E0]  }
0x147: {  	v8 =	vadd.f32 v11, v8;
	v5 =	vadd.f32 v18, v5;
	v11 =	vld [tilespmem:s25+$0xB8F0]  }
0x148: {  	v6 =	vadd.f32 v23, v6;
	v3 =	vadd.f32 v24, v3;
	v18 =	vld [tilespmem:s25+$0xB920]  }
0x149: {  	v8 =	vadd.f32 v14, v8;
	v5 =	vadd.f32 v9, v5;
	v9 =	vld [tilespmem:s25+$0xB930]  }
0x14a: {  	v6 =	vadd.f32 v25, v6;
	v3 =	vadd.f32 v19, v3;
	v14 =	vld [tilespmem:s25+$0xB960]  }
0x14b: {  	v8 =	vadd.f32 v17, v8;
	v5 =	vadd.f32 v13, v5;
	v13 =	vld [tilespmem:s25+$0xB970]  }
0x14c: {  	v6 =	vadd.f32 v20, v6;
	v3 =	vadd.f32 v11, v3;
	v11 =	vld [tilespmem:s25+$0xB9A0]  }
0x14d: {  	v8 =	vadd.f32 v15, v8;
	v5 =	vadd.f32 v16, v5;
	v15 =	vld [tilespmem:s25+$0xB9B0]  }
0x14e: {  	v6 =	vadd.f32 v18, v6;
	v3 =	vadd.f32 v9, v3;
	v9 =	vld [tilespmem:s25+$0xB9E0]  }
0x14f: {  	v8 =	vadd.f32 v10, v8;
	v5 =	vadd.f32 v12, v5;
	v12 =	vld [tilespmem:s25+$0xB9F0];
	s25 =	sshra.s32 s26, $0x2  }
0x150: {  	v6 =	vadd.f32 v14, v6;
	v16 =	vld [tilespmem:s25+$0xB9C0];
	v3 =	vadd.f32 v13, v3  }
0x151: {  	v8 =	vadd.f32 v4, v8;
	v5 =	vadd.f32 v7, v5;
	v13 =	vld [tilespmem:s25+$0xB9D0]  }
0x152: {  	v6 =	vadd.f32 v11, v6;
	v4 =	vld [tilespmem:s25+$0xB980];
	v3 =	vadd.f32 v15, v3  }
0x153: {  	v8 =	vadd.f32 v1, v8;
	v5 =	vadd.f32 v2, v5;
	v7 =	vld [tilespmem:s25+$0xB990]  }
0x154: {  	v6 =	vadd.f32 v9, v6;
	v10 =	vld [tilespmem:s25+$0xB940];
	v3 =	vadd.f32 v12, v3  }
0x155: {  	v12 =	vld [tilespmem:s25+$0xB950];
	v1 =	vmov v16  }
0x156: {  	v15 =	vld [tilespmem:s25+$0xB900];
	v2 =	vmov v13  }
0x157: {  	v16 =	vld [tilespmem:s25+$0xB910]  }
0x158: {  	v17 =	vld [tilespmem:s25+$0xB8C0]  }
0x159: {  	v13 =	vld [tilespmem:s25+$0xB8D0]  }
0x15a: {  	v14 =	vld [tilespmem:s25+$0xB880]  }
0x15b: {  	v9 =	vld [tilespmem:s25+$0xB890]  }
.Ltmp3:
0x15c: {  	v11 =	vld [tilespmem:s25+$0xB840];
	(pc) =	sbr.rel @p1 .LBB2_9-.Ltmp3, $4  }
0x15d: {  	v18 =	vld [tilespmem:s25+$0xB850]  }
0x15e: {  	v19 =	vld [tilespmem:s25+$0xB800]  }
0x15f: {  	v20 =	vld [tilespmem:s25+$0xB810]  }
0x160: {  	s26 =	sadd.s32 $0x800, s26;
	v21 =	vld [tilespmem:s25+$0xB820]  }
0x161: {  	v22 =	vld [tilespmem:s25+$0xB830]  }
0x162: {  	v23 =	vld [tilespmem:s25+$0xB860]  }
0x163: {  	v24 =	vld [tilespmem:s25+$0xB870];
	v8 =	vadd.f32 v19, v8  }
0x164: {  	v51 =	vld [tilespmem:s25+$0xB8A0];
	v5 =	vadd.f32 v20, v5  }
0x165: {  	v52 =	vld [tilespmem:s25+$0xB8B0];
	v6 =	vadd.f32 v21, v6;
	v8 =	vadd.f32 v11, v8  }
0x166: {  	v53 =	vld [tilespmem:s25+$0xB8E0];
	v3 =	vadd.f32 v22, v3;
	v5 =	vadd.f32 v18, v5  }
0x167: {  	v54 =	vld [tilespmem:s25+$0xB8F0];
	v6 =	vadd.f32 v23, v6;
	v8 =	vadd.f32 v14, v8  }
0x168: {  	v55 =	vld [tilespmem:s25+$0xB920];
	v3 =	vadd.f32 v24, v3;
	v5 =	vadd.f32 v9, v5  }
0x169: {  	v56 =	vld [tilespmem:s25+$0xB930];
	v6 =	vadd.f32 v51, v6;
	v8 =	vadd.f32 v17, v8  }
0x16a: {  	v57 =	vld [tilespmem:s25+$0xB960];
	v3 =	vadd.f32 v52, v3;
	v5 =	vadd.f32 v13, v5  }
0x16b: {  	v58 =	vld [tilespmem:s25+$0xB970];
	v6 =	vadd.f32 v53, v6;
	v8 =	vadd.f32 v15, v8  }
0x16c: {  	v59 =	vld [tilespmem:s25+$0xB9A0];
	v3 =	vadd.f32 v54, v3;
	v5 =	vadd.f32 v16, v5  }
0x16d: {  	v60 =	vld [tilespmem:s25+$0xB9B0];
	v6 =	vadd.f32 v55, v6;
	v8 =	vadd.f32 v10, v8  }
0x16e: {  	v61 =	vld [tilespmem:s25+$0xB9E0];
	v3 =	vadd.f32 v56, v3;
	v5 =	vadd.f32 v12, v5  }
0x16f: {  	v62 =	vld [tilespmem:s25+$0xB9F0];
	v6 =	vadd.f32 v57, v6;
	v4 =	vadd.f32 v4, v8  }
0x170: {  	s23 =	sadd.s32 @!p0 $0x2D8, s23;
	v3 =	vadd.f32 v58, v3;
	v5 =	vadd.f32 v7, v5  }
0x171: {  	s25 =	simm.s32 @!p0 $0x48;
	s26 =	simm.s32 @!p0 $0xB800;
	s22 =	sadd.s32 $0x1, s22;
	v6 =	vadd.f32 v59, v6;
	v1 =	vadd.f32 v1, v4  }
0x172: {  	[tilespmem:s26], [sflag:$0x4] =	stream.indirect.gather @!p0 [hbm4b:s3+s25], $0x40, s23, s25, $0xb8;
	v3 =	vadd.f32 v60, v3;
	v2 =	vadd.f32 v2, v5;
	[tilespmem:$0xEC00] =	vst v63  }
0x173: {  	p0 =	sne.s32 s22, $0x40;
	v63 =	vadd.f32 v61, v6;
	v1 =	vmul.f32 $4.999999890e-03, v1  }
.Ltmp4:
0x174: {  	v3 =	vadd.f32 v62, v3;
	v2 =	vmul.f32 $4.999999890e-03, v2;
	(pc) =	sbr.rel @p0 .LBB2_2-.Ltmp4, $4  }
0x175: {  	[tilespmem:s24+$0xCC40] =	vst v1;
	v1 =	vmul.f32 $4.999999890e-03, v63  }
0x176: {  	[tilespmem:s24+$0xCC50] =	vst v2;
	v2 =	vmul.f32 $4.999999890e-03, v3  }
0x177: {  	[tilespmem:s24+$0xCC60] =	vst v1  }
0x178: {  	[tilespmem:s24+$0xCC70] =	vst v2  }
0x179: {  	s21 =	sadd.s32 $0x1, s21  }
0x17a: {  	p0 =	sne.s32 s21, s6  }
.Ltmp5:
0x17b: {  	_ = 	snop;
	(pc) =	sbr.rel @p0 .LBB2_1-.Ltmp5, $4  }
0x17c: {  	[hbm4b:s5+s2] =	stream.linear.scatter [tilespmem:s20], [sflag:$0x5], $0x2000, $0x38;
	[tilespmem:$0xEC00] =	vst v63  }
0x17d: {  	_ =	swait.ge [sflag:s7], $0x2000  }
0x17e: {  	[sflag:s7] =	ssyncset.done $0x0  }
0x17f: {  	[sflag:s7] =	ssyncadd.s32 $0xFFFFE000  }
0x180: {  	_ =	sfence.sel $0x180000  }
0x181: {  	[bflag:$0x0] =	sbarrier.arrive $0xFFFF  }
0x182: {  	p0 =	sne.s32 s0, $0x0;
	_ =	strace $0x90000047  }
0x183: {  	s0 =	sadd.s32 @!p0 $0x100000, s1;
	[bflag:$0x2] =	sbarrier.arrive $0xFFFF  }
0x184: {  	[sflag:s0] =	ssyncadd.tile.s32 @!p0 $0x1;
	_ =	shalt  }
.Lfunc_end2:
_tile_overlayer_lowered:
.L_overlay_start_2:
0x185: {  	(tag) =	ssettag $0x2  }
0x186: {  	s0 =	rddreg [dreg:$0x0];
	s2 =	stileid.u32  }
0x187: {  	s1 =	rddreg [dreg:$0x1];
	p0 =	sne.s32 s2, $0x0  }
0x188: {  	s3 =	rddreg [dreg:$0x2];
	[bflag:$0x3] =	sbarrier.arrive $0xFFFF;
	s2 =	simm.s32 @!p0 $0x1C05  }
0x189: {  	[timem:s3], [sflag:s2] =	dma.local @!p0 [hbm:s0], s1  }
0x18a: {  	s0 =	simm.s32 @!p0 $0x5  }
0x18b: {  	_ =	swait.ge @!p0 [sflag:s0], s1  }
0x18c: {  	s1 =	ssub.s32 @!p0 $0x0, s1;
	[sflag:s0] =	ssyncset.done @!p0 $0x0  }
0x18d: {  	[sflag:s0] =	ssyncadd.s32 @!p0 s1  }
0x18e: {  	[bflag:$0x3] =	sbarrier.arrive $0xFFFF  }
0x18f: {  	_ =	shalt  }

</sc_bundles>
